<compile_context>
chip_gen: v7x
topology: tpu7x:2x2x1
jax: 0.10.2.dev20260603
libtpu: 0.0.44.dev20260713+nightly
codegen_flags: <defaults>
</compile_context>

<pallas_src>
import jax
import jax.numpy as jnp
import numpy as np
from jax import lax
from jax.experimental import pallas as pl
from jax.experimental.pallas import tpu as pltpu
from jax.experimental.pallas import tpu_sc as plsc

N_SCEN_SEL = 32

_NC = 2
_NS = 16
_NW = _NC * _NS
_L = 16

_PERM_CACHE = {}
try:
    with jax.default_device(jax.devices("cpu")[0]):
        _PERM_CACHE[512] = np.asarray(
            jax.random.permutation(jax.random.key(42), 512)
        )
except Exception:
    pass

_REP = 4


def _sc_select(y3, idx, idx_np, b, t, s):
    k = idx.shape[0]
    assert k == _NW, "one worker per selected scenario"
    rpw = b // _NW
    assert rpw % _REP == 0 and s % _L == 0
    baked = idx_np is not None

    def body(*refs):
        if baked:
            y_hbm, ysel_hbm, p_hbm, row_v, pat_v, gsem, psem = refs
        else:
            y_hbm, idx_hbm, ysel_hbm, p_hbm, idx_v, row_v, pat_v, gsem, psem = refs
        wid = lax.axis_index("s") * _NC + lax.axis_index("c")
        io = lax.iota(jnp.int32, _L)
        if baked:
            def const_vec(vals):
                v = jnp.full((_L,), int(vals[0]), dtype=jnp.int32)
                for j in range(1, _L):
                    v = jnp.where(io == j, int(vals[j]), v)
                return v

            v_lo = const_vec(idx_np[:_L])
            v_hi = const_vec(idx_np[_L:])
        else:
            pltpu.sync_copy(idx_hbm, idx_v)
            v_lo = idx_v[pl.ds(0, _L)]
            v_hi = idx_v[pl.ds(_L, _L)]
        vsel = jnp.where(wid < _L, v_lo, v_hi)
        g = lax.reduce_max(jnp.where(io == wid % _L, vsel, -1), (0,))
        gcopy = pltpu.async_copy(y_hbm.at[pl.ds(g, 1)], row_v, gsem)

        z16 = jnp.zeros((_L,), jnp.float32)
        cch = s // _L

        def zero_body(i, _):
            r = i % _REP
            kk = i // _REP
            for c in range(cch):
                pat_v[r, kk, pl.ds(c * _L, _L)] = z16
            return 0

        lax.fori_loop(0, k * _REP, zero_body, 0)
        ones = jnp.full((_L,), 1.0, dtype=jnp.float32)
        for r in range(_REP):
            rv = jnp.full((_L,), r, dtype=jnp.int32)
            plsc.store_scatter(pat_v, [rv, io, v_lo], ones)
            plsc.store_scatter(pat_v, [rv, io + _L, v_hi], ones)

        pcopies = [
            pltpu.async_copy(
                pat_v, p_hbm.at[pl.ds(wid * rpw + i * _REP, _REP)], psem)
            for i in range(rpw // _REP)
        ]
        gcopy.wait()
        pltpu.sync_copy(row_v, ysel_hbm.at[pl.ds(wid, 1)])
        for c in pcopies:
            c.wait()

    out_type = (
        jax.ShapeDtypeStruct((k, t, b), jnp.float32),
        jax.ShapeDtypeStruct((b, k, s), jnp.float32),
    )
    scratch = [
        pltpu.VMEM((1, t, b), jnp.float32),
        pltpu.VMEM((_REP, k, s), jnp.float32),
        pltpu.SemaphoreType.DMA,
        pltpu.SemaphoreType.DMA,
    ]
    if not baked:
        scratch.insert(0, pltpu.VMEM((k,), jnp.int32))

    mesh = plsc.VectorSubcoreMesh(core_axis_name="c", subcore_axis_name="s")
    f = pl.kernel(
        body,
        out_type=out_type,
        mesh=mesh,
        scratch_types=scratch,
        compiler_params=pltpu.CompilerParams(needs_layout_passes=False),
    )
    return f(y3) if baked else f(y3, idx)


def kernel(Y_scen):
    s_full, b, t = Y_scen.shape
    k = min(N_SCEN_SEL, s_full)
    if s_full in _PERM_CACHE:
        idx_np = _PERM_CACHE[s_full][:k]
        idx = jnp.asarray(idx_np)
    else:
        idx_np = None
        idx = jax.random.permutation(jax.random.key(42), s_full)[:k]

    y3 = jnp.transpose(Y_scen, (0, 2, 1))
    ysel3, p = _sc_select(y3, idx, idx_np, b, t, s_full)
    y_sel = ysel3.transpose(0, 2, 1)
    return (y_sel, p, idx)

# --- scband reference (transcript-rebuilt; emitter-appended) ---
"""Pipeline reference for scband-random-scenario-selector-46926812676856 (READ-ONLY COPY).

The authoritative reference and input builder live on the scoring server;
editing this copy changes nothing except your own understanding.
"""

import jax, jax.numpy as jnp
import numpy as np

N_SCEN = 32

def setup_inputs(seed: int = 0) -> dict:
    key = jax.random.key(seed)
    Y_scen = jax.random.normal(key, (512, 1024, 48), dtype=jnp.float32)
    return {"Y_scen": Y_scen}

def reference(Y_scen):
    S_full, B = Y_scen.shape[0], Y_scen.shape[1]
    K = min(N_SCEN, S_full)
    # torch.randperm equivalent with a fixed key (deterministic reference)
    perm = jax.random.permutation(jax.random.key(42), S_full)
    idx = perm[:K]
    # Y_scen.index_select(0, idx)
    Y_sel = jnp.take(Y_scen, idx, axis=0)
    # p = zeros(B, K, S_full); p[:, arange(K), idx] = 1.0
    p = jnp.zeros((B, K, S_full), dtype=Y_scen.dtype)
    p = p.at[:, jnp.arange(K), idx].set(1.0)
    # aux = {'idx': idx, 'p': p, 'A': p} -> return arrays flattened
    return (Y_sel, p, idx)

if __name__ == "__main__":
    import jax
    _d = setup_inputs()
    print(jax.jit(kernel)(*tuple(_d.values())))

</pallas_src>

<mosaic_0001>
#map = affine_map<(d0, d1) -> (0, 0, 0)>
module attributes {stable_mosaic.version = 14 : i64} {
  func.func @body(%arg0: i32, %arg1: i32, %arg2: memref<512x48x1024xf32, #tpu.memory_space<hbm>>, %arg3: memref<32x48x1024xf32, #tpu.memory_space<hbm>>, %arg4: memref<1024x32x512xf32, #tpu.memory_space<hbm>>, %arg5: memref<1x48x1024xf32, #tpu.memory_space<vmem>>, %arg6: memref<4x32x512xf32, #tpu.memory_space<vmem>>, %arg7: memref<!tpu.dma_semaphore, #tpu.memory_space<semaphore_mem>>, %arg8: memref<!tpu.dma_semaphore, #tpu.memory_space<semaphore_mem>>) attributes {dimension_semantics = [#tpu.dimension_semantics<core_parallel>, #tpu.dimension_semantics<subcore_parallel>], iteration_bounds = array<i64: 2, 16>, scalar_prefetch = 0 : i64, scratch_operands = 4 : i64, tpu.core_type = #tpu.core_type<sc_vector_subcore>, window_params = [{transform_indices = #map}, {transform_indices = #map}, {transform_indices = #map}]} {
    %mul3A = arith.constant 2 : i32
    %mul3A_0 = arith.muli %arg1, %mul3A : i32
    %add3A = arith.addi %mul3A_0, %arg0 : i32
    %iota3A = tpu.iota {dimensions = array<i32: 0>} : vector<16xi32>
    %broadcast_in_dim3A = arith.constant 121 : i32
    %broadcast_in_dim3A_1 = vector.broadcast %broadcast_in_dim3A : i32 to vector<16xi32>
    %eq3A = arith.constant 1 : i32
    %eq3A_2 = vector.broadcast %eq3A : i32 to vector<16xi32>
    %eq3A_3 = arith.cmpi eq, %iota3A, %eq3A_2 : vector<16xi32>
    %jit3A = arith.constant 480 : i32
    %broadcast_in_dim3A_4 = vector.broadcast %jit3A : i32 to vector<16xi32>
    %select_n3A = arith.select %eq3A_3, %broadcast_in_dim3A_4, %broadcast_in_dim3A_1 : vector<16xi1>, vector<16xi32>
    %eq3A_5 = arith.constant 2 : i32
    %eq3A_6 = vector.broadcast %eq3A_5 : i32 to vector<16xi32>
    %eq3A_7 = arith.cmpi eq, %iota3A, %eq3A_6 : vector<16xi32>
    %jit3A_8 = arith.constant 35 : i32
    %broadcast_in_dim3A_9 = vector.broadcast %jit3A_8 : i32 to vector<16xi32>
    %select_n3A_10 = arith.select %eq3A_7, %broadcast_in_dim3A_9, %select_n3A : vector<16xi1>, vector<16xi32>
    %eq3A_11 = arith.constant 3 : i32
    %eq3A_12 = vector.broadcast %eq3A_11 : i32 to vector<16xi32>
    %eq3A_13 = arith.cmpi eq, %iota3A, %eq3A_12 : vector<16xi32>
    %jit3A_14 = arith.constant 130 : i32
    %broadcast_in_dim3A_15 = vector.broadcast %jit3A_14 : i32 to vector<16xi32>
    %select_n3A_16 = arith.select %eq3A_13, %broadcast_in_dim3A_15, %select_n3A_10 : vector<16xi1>, vector<16xi32>
    %eq3A_17 = arith.constant 4 : i32
    %eq3A_18 = vector.broadcast %eq3A_17 : i32 to vector<16xi32>
    %eq3A_19 = arith.cmpi eq, %iota3A, %eq3A_18 : vector<16xi32>
    %jit3A_20 = arith.constant 263 : i32
    %broadcast_in_dim3A_21 = vector.broadcast %jit3A_20 : i32 to vector<16xi32>
    %select_n3A_22 = arith.select %eq3A_19, %broadcast_in_dim3A_21, %select_n3A_16 : vector<16xi1>, vector<16xi32>
    %eq3A_23 = arith.constant 5 : i32
    %eq3A_24 = vector.broadcast %eq3A_23 : i32 to vector<16xi32>
    %eq3A_25 = arith.cmpi eq, %iota3A, %eq3A_24 : vector<16xi32>
    %jit3A_26 = arith.constant 148 : i32
    %broadcast_in_dim3A_27 = vector.broadcast %jit3A_26 : i32 to vector<16xi32>
    %select_n3A_28 = arith.select %eq3A_25, %broadcast_in_dim3A_27, %select_n3A_22 : vector<16xi1>, vector<16xi32>
    %eq3A_29 = arith.constant 6 : i32
    %eq3A_30 = vector.broadcast %eq3A_29 : i32 to vector<16xi32>
    %eq3A_31 = arith.cmpi eq, %iota3A, %eq3A_30 : vector<16xi32>
    %jit3A_32 = arith.constant 197 : i32
    %broadcast_in_dim3A_33 = vector.broadcast %jit3A_32 : i32 to vector<16xi32>
    %select_n3A_34 = arith.select %eq3A_31, %broadcast_in_dim3A_33, %select_n3A_28 : vector<16xi1>, vector<16xi32>
    %eq3A_35 = arith.constant 7 : i32
    %eq3A_36 = vector.broadcast %eq3A_35 : i32 to vector<16xi32>
    %eq3A_37 = arith.cmpi eq, %iota3A, %eq3A_36 : vector<16xi32>
    %jit3A_38 = arith.constant 410 : i32
    %broadcast_in_dim3A_39 = vector.broadcast %jit3A_38 : i32 to vector<16xi32>
    %select_n3A_40 = arith.select %eq3A_37, %broadcast_in_dim3A_39, %select_n3A_34 : vector<16xi1>, vector<16xi32>
    %eq3A_41 = arith.constant 8 : i32
    %eq3A_42 = vector.broadcast %eq3A_41 : i32 to vector<16xi32>
    %eq3A_43 = arith.cmpi eq, %iota3A, %eq3A_42 : vector<16xi32>
    %jit3A_44 = arith.constant 398 : i32
    %broadcast_in_dim3A_45 = vector.broadcast %jit3A_44 : i32 to vector<16xi32>
    %select_n3A_46 = arith.select %eq3A_43, %broadcast_in_dim3A_45, %select_n3A_40 : vector<16xi1>, vector<16xi32>
    %eq3A_47 = arith.constant 9 : i32
    %eq3A_48 = vector.broadcast %eq3A_47 : i32 to vector<16xi32>
    %eq3A_49 = arith.cmpi eq, %iota3A, %eq3A_48 : vector<16xi32>
    %jit3A_50 = arith.constant 45 : i32
    %broadcast_in_dim3A_51 = vector.broadcast %jit3A_50 : i32 to vector<16xi32>
    %select_n3A_52 = arith.select %eq3A_49, %broadcast_in_dim3A_51, %select_n3A_46 : vector<16xi1>, vector<16xi32>
    %eq3A_53 = arith.constant 10 : i32
    %eq3A_54 = vector.broadcast %eq3A_53 : i32 to vector<16xi32>
    %eq3A_55 = arith.cmpi eq, %iota3A, %eq3A_54 : vector<16xi32>
    %jit3A_56 = arith.constant 176 : i32
    %broadcast_in_dim3A_57 = vector.broadcast %jit3A_56 : i32 to vector<16xi32>
    %select_n3A_58 = arith.select %eq3A_55, %broadcast_in_dim3A_57, %select_n3A_52 : vector<16xi1>, vector<16xi32>
    %eq3A_59 = arith.constant 11 : i32
    %eq3A_60 = vector.broadcast %eq3A_59 : i32 to vector<16xi32>
    %eq3A_61 = arith.cmpi eq, %iota3A, %eq3A_60 : vector<16xi32>
    %jit3A_62 = arith.constant 462 : i32
    %broadcast_in_dim3A_63 = vector.broadcast %jit3A_62 : i32 to vector<16xi32>
    %select_n3A_64 = arith.select %eq3A_61, %broadcast_in_dim3A_63, %select_n3A_58 : vector<16xi1>, vector<16xi32>
    %eq3A_65 = arith.constant 12 : i32
    %eq3A_66 = vector.broadcast %eq3A_65 : i32 to vector<16xi32>
    %eq3A_67 = arith.cmpi eq, %iota3A, %eq3A_66 : vector<16xi32>
    %jit3A_68 = arith.constant 446 : i32
    %broadcast_in_dim3A_69 = vector.broadcast %jit3A_68 : i32 to vector<16xi32>
    %select_n3A_70 = arith.select %eq3A_67, %broadcast_in_dim3A_69, %select_n3A_64 : vector<16xi1>, vector<16xi32>
    %eq3A_71 = arith.constant 13 : i32
    %eq3A_72 = vector.broadcast %eq3A_71 : i32 to vector<16xi32>
    %eq3A_73 = arith.cmpi eq, %iota3A, %eq3A_72 : vector<16xi32>
    %jit3A_74 = arith.constant 366 : i32
    %broadcast_in_dim3A_75 = vector.broadcast %jit3A_74 : i32 to vector<16xi32>
    %select_n3A_76 = arith.select %eq3A_73, %broadcast_in_dim3A_75, %select_n3A_70 : vector<16xi1>, vector<16xi32>
    %eq3A_77 = arith.constant 14 : i32
    %eq3A_78 = vector.broadcast %eq3A_77 : i32 to vector<16xi32>
    %eq3A_79 = arith.cmpi eq, %iota3A, %eq3A_78 : vector<16xi32>
    %jit3A_80 = arith.constant 257 : i32
    %broadcast_in_dim3A_81 = vector.broadcast %jit3A_80 : i32 to vector<16xi32>
    %select_n3A_82 = arith.select %eq3A_79, %broadcast_in_dim3A_81, %select_n3A_76 : vector<16xi1>, vector<16xi32>
    %eq3A_83 = arith.constant 15 : i32
    %eq3A_84 = vector.broadcast %eq3A_83 : i32 to vector<16xi32>
    %eq3A_85 = arith.cmpi eq, %iota3A, %eq3A_84 : vector<16xi32>
    %jit3A_86 = arith.constant 179 : i32
    %broadcast_in_dim3A_87 = vector.broadcast %jit3A_86 : i32 to vector<16xi32>
    %select_n3A_88 = arith.select %eq3A_85, %broadcast_in_dim3A_87, %select_n3A_82 : vector<16xi1>, vector<16xi32>
    %broadcast_in_dim3A_89 = arith.constant 139 : i32
    %broadcast_in_dim3A_90 = vector.broadcast %broadcast_in_dim3A_89 : i32 to vector<16xi32>
    %eq3A_91 = arith.constant 1 : i32
    %eq3A_92 = vector.broadcast %eq3A_91 : i32 to vector<16xi32>
    %eq3A_93 = arith.cmpi eq, %iota3A, %eq3A_92 : vector<16xi32>
    %jit3A_94 = arith.constant 315 : i32
    %broadcast_in_dim3A_95 = vector.broadcast %jit3A_94 : i32 to vector<16xi32>
    %select_n3A_96 = arith.select %eq3A_93, %broadcast_in_dim3A_95, %broadcast_in_dim3A_90 : vector<16xi1>, vector<16xi32>
    %eq3A_97 = arith.constant 2 : i32
    %eq3A_98 = vector.broadcast %eq3A_97 : i32 to vector<16xi32>
    %eq3A_99 = arith.cmpi eq, %iota3A, %eq3A_98 : vector<16xi32>
    %jit3A_100 = arith.constant 501 : i32
    %broadcast_in_dim3A_101 = vector.broadcast %jit3A_100 : i32 to vector<16xi32>
    %select_n3A_102 = arith.select %eq3A_99, %broadcast_in_dim3A_101, %select_n3A_96 : vector<16xi1>, vector<16xi32>
    %eq3A_103 = arith.constant 3 : i32
    %eq3A_104 = vector.broadcast %eq3A_103 : i32 to vector<16xi32>
    %eq3A_105 = arith.cmpi eq, %iota3A, %eq3A_104 : vector<16xi32>
    %jit3A_106 = arith.constant 188 : i32
    %broadcast_in_dim3A_107 = vector.broadcast %jit3A_106 : i32 to vector<16xi32>
    %select_n3A_108 = arith.select %eq3A_105, %broadcast_in_dim3A_107, %select_n3A_102 : vector<16xi1>, vector<16xi32>
    %eq3A_109 = arith.constant 4 : i32
    %eq3A_110 = vector.broadcast %eq3A_109 : i32 to vector<16xi32>
    %eq3A_111 = arith.cmpi eq, %iota3A, %eq3A_110 : vector<16xi32>
    %jit3A_112 = arith.constant 312 : i32
    %broadcast_in_dim3A_113 = vector.broadcast %jit3A_112 : i32 to vector<16xi32>
    %select_n3A_114 = arith.select %eq3A_111, %broadcast_in_dim3A_113, %select_n3A_108 : vector<16xi1>, vector<16xi32>
    %eq3A_115 = arith.constant 5 : i32
    %eq3A_116 = vector.broadcast %eq3A_115 : i32 to vector<16xi32>
    %eq3A_117 = arith.cmpi eq, %iota3A, %eq3A_116 : vector<16xi32>
    %jit3A_118 = arith.constant 499 : i32
    %broadcast_in_dim3A_119 = vector.broadcast %jit3A_118 : i32 to vector<16xi32>
    %select_n3A_120 = arith.select %eq3A_117, %broadcast_in_dim3A_119, %select_n3A_114 : vector<16xi1>, vector<16xi32>
    %eq3A_121 = arith.constant 6 : i32
    %eq3A_122 = vector.broadcast %eq3A_121 : i32 to vector<16xi32>
    %eq3A_123 = arith.cmpi eq, %iota3A, %eq3A_122 : vector<16xi32>
    %jit3A_124 = arith.constant 318 : i32
    %broadcast_in_dim3A_125 = vector.broadcast %jit3A_124 : i32 to vector<16xi32>
    %select_n3A_126 = arith.select %eq3A_123, %broadcast_in_dim3A_125, %select_n3A_120 : vector<16xi1>, vector<16xi32>
    %eq3A_127 = arith.constant 7 : i32
    %eq3A_128 = vector.broadcast %eq3A_127 : i32 to vector<16xi32>
    %eq3A_129 = arith.cmpi eq, %iota3A, %eq3A_128 : vector<16xi32>
    %jit3A_130 = arith.constant 448 : i32
    %broadcast_in_dim3A_131 = vector.broadcast %jit3A_130 : i32 to vector<16xi32>
    %select_n3A_132 = arith.select %eq3A_129, %broadcast_in_dim3A_131, %select_n3A_126 : vector<16xi1>, vector<16xi32>
    %eq3A_133 = arith.constant 8 : i32
    %eq3A_134 = vector.broadcast %eq3A_133 : i32 to vector<16xi32>
    %eq3A_135 = arith.cmpi eq, %iota3A, %eq3A_134 : vector<16xi32>
    %jit3A_136 = arith.constant 304 : i32
    %broadcast_in_dim3A_137 = vector.broadcast %jit3A_136 : i32 to vector<16xi32>
    %select_n3A_138 = arith.select %eq3A_135, %broadcast_in_dim3A_137, %select_n3A_132 : vector<16xi1>, vector<16xi32>
    %eq3A_139 = arith.constant 9 : i32
    %eq3A_140 = vector.broadcast %eq3A_139 : i32 to vector<16xi32>
    %eq3A_141 = arith.cmpi eq, %iota3A, %eq3A_140 : vector<16xi32>
    %jit3A_142 = arith.constant 99 : i32
    %broadcast_in_dim3A_143 = vector.broadcast %jit3A_142 : i32 to vector<16xi32>
    %select_n3A_144 = arith.select %eq3A_141, %broadcast_in_dim3A_143, %select_n3A_138 : vector<16xi1>, vector<16xi32>
    %eq3A_145 = arith.constant 10 : i32
    %eq3A_146 = vector.broadcast %eq3A_145 : i32 to vector<16xi32>
    %eq3A_147 = arith.cmpi eq, %iota3A, %eq3A_146 : vector<16xi32>
    %jit3A_148 = arith.constant 309 : i32
    %broadcast_in_dim3A_149 = vector.broadcast %jit3A_148 : i32 to vector<16xi32>
    %select_n3A_150 = arith.select %eq3A_147, %broadcast_in_dim3A_149, %select_n3A_144 : vector<16xi1>, vector<16xi32>
    %eq3A_151 = arith.constant 11 : i32
    %eq3A_152 = vector.broadcast %eq3A_151 : i32 to vector<16xi32>
    %eq3A_153 = arith.cmpi eq, %iota3A, %eq3A_152 : vector<16xi32>
    %jit3A_154 = arith.constant 144 : i32
    %broadcast_in_dim3A_155 = vector.broadcast %jit3A_154 : i32 to vector<16xi32>
    %select_n3A_156 = arith.select %eq3A_153, %broadcast_in_dim3A_155, %select_n3A_150 : vector<16xi1>, vector<16xi32>
    %eq3A_157 = arith.constant 12 : i32
    %eq3A_158 = vector.broadcast %eq3A_157 : i32 to vector<16xi32>
    %eq3A_159 = arith.cmpi eq, %iota3A, %eq3A_158 : vector<16xi32>
    %jit3A_160 = arith.constant 152 : i32
    %broadcast_in_dim3A_161 = vector.broadcast %jit3A_160 : i32 to vector<16xi32>
    %select_n3A_162 = arith.select %eq3A_159, %broadcast_in_dim3A_161, %select_n3A_156 : vector<16xi1>, vector<16xi32>
    %eq3A_163 = arith.constant 13 : i32
    %eq3A_164 = vector.broadcast %eq3A_163 : i32 to vector<16xi32>
    %eq3A_165 = arith.cmpi eq, %iota3A, %eq3A_164 : vector<16xi32>
    %jit3A_166 = arith.constant 189 : i32
    %broadcast_in_dim3A_167 = vector.broadcast %jit3A_166 : i32 to vector<16xi32>
    %select_n3A_168 = arith.select %eq3A_165, %broadcast_in_dim3A_167, %select_n3A_162 : vector<16xi1>, vector<16xi32>
    %eq3A_169 = arith.constant 14 : i32
    %eq3A_170 = vector.broadcast %eq3A_169 : i32 to vector<16xi32>
    %eq3A_171 = arith.cmpi eq, %iota3A, %eq3A_170 : vector<16xi32>
    %jit3A_172 = arith.constant 487 : i32
    %broadcast_in_dim3A_173 = vector.broadcast %jit3A_172 : i32 to vector<16xi32>
    %select_n3A_174 = arith.select %eq3A_171, %broadcast_in_dim3A_173, %select_n3A_168 : vector<16xi1>, vector<16xi32>
    %eq3A_175 = arith.constant 15 : i32
    %eq3A_176 = vector.broadcast %eq3A_175 : i32 to vector<16xi32>
    %eq3A_177 = arith.cmpi eq, %iota3A, %eq3A_176 : vector<16xi32>
    %jit3A_178 = arith.constant 325 : i32
    %broadcast_in_dim3A_179 = vector.broadcast %jit3A_178 : i32 to vector<16xi32>
    %select_n3A_180 = arith.select %eq3A_177, %broadcast_in_dim3A_179, %select_n3A_174 : vector<16xi1>, vector<16xi32>
    %lt3A = arith.constant 16 : i32
    %lt3A_181 = arith.cmpi slt, %add3A, %lt3A : i32
    %select_n3A_182 = arith.select %lt3A_181, %select_n3A_88, %select_n3A_180 : vector<16xi32>
    %jit3A_183 = arith.constant 16 : i32
    %eq3A_184 = arith.constant 0 : i32
    %eq3A_185 = arith.cmpi eq, %jit3A_183, %eq3A_184 : i32
    %jit3A_186 = arith.constant 1 : i32
    %select_n3A_187 = arith.select %eq3A_185, %jit3A_186, %jit3A_183 : i32
    %rem3A = arith.remsi %add3A, %select_n3A_187 : i32
    %ne3A = arith.constant 0 : i32
    %ne3A_188 = arith.cmpi ne, %rem3A, %ne3A : i32
    %lt3A_189 = arith.constant 0 : i32
    %lt3A_190 = arith.cmpi slt, %rem3A, %lt3A_189 : i32
    %lt3A_191 = arith.constant 0 : i32
    %lt3A_192 = arith.cmpi slt, %select_n3A_187, %lt3A_191 : i32
    %ne3A_193 = arith.xori %lt3A_190, %lt3A_192 : i1
    %and3A = arith.andi %ne3A_193, %ne3A_188 : i1
    %add3A_194 = arith.addi %rem3A, %select_n3A_187 : i32
    %select_n3A_195 = arith.select %and3A, %add3A_194, %rem3A : i32
    %eq3A_196 = vector.broadcast %select_n3A_195 : i32 to vector<16xi32>
    %eq3A_197 = arith.cmpi eq, %iota3A, %eq3A_196 : vector<16xi32>
    %jit3A_198 = arith.constant -1 : i32
    %broadcast_in_dim3A_199 = vector.broadcast %jit3A_198 : i32 to vector<16xi32>
    %select_n3A_200 = arith.select %eq3A_197, %select_n3A_182, %broadcast_in_dim3A_199 : vector<16xi1>, vector<16xi32>
    %reduce_max3A = arith.constant true
    %reduce_max3A_201 = vector.broadcast %reduce_max3A : i1 to vector<16xi1>
    %reduce_max3A_202 = arith.constant -2147483648 : i32
    %reduce_max3A_203 = vector.broadcast %reduce_max3A_202 : i32 to vector<16xi32>
    %reduce_max3A_204 = arith.xori %select_n3A_200, %reduce_max3A_203 : vector<16xi32>
    %reduce_max3A_205 = tpu.scan <max>, %reduce_max3A_204 masked %reduce_max3A_201 : vector<16xi32>, vector<16xi1> -> vector<16xi32>
    %reduce_max3A_206 = arith.xori %reduce_max3A_205, %reduce_max3A_203 : vector<16xi32>
    %reduce_max3A_207 = vector.extract %reduce_max3A_206[15] : i32 from vector<16xi32>
    %dma_start3A = arith.constant 0 : i32
    %dma_start3A_208 = arith.constant 0 : i32
    %dma_start3A_209 = tpu.memref_slice %arg2[%reduce_max3A_207, %dma_start3A, %dma_start3A_208] : memref<512x48x1024xf32, #tpu.memory_space<hbm>> -> memref<1x48x1024xf32, #tpu.memory_space<hbm>>
    %dma_start3A_210 = arith.constant 0 : i32
    %dma_start3A_211 = arith.constant 0 : i32
    %dma_start3A_212 = tpu.memref_slice %arg2[%reduce_max3A_207, %dma_start3A_210, %dma_start3A_211] : memref<512x48x1024xf32, #tpu.memory_space<hbm>> -> memref<1x48x1024xf32, #tpu.memory_space<hbm>>
    tpu.enqueue_dma source(%dma_start3A_212 : memref<1x48x1024xf32, #tpu.memory_space<hbm>>) target(%arg5 : memref<1x48x1024xf32, #tpu.memory_space<vmem>>) target_semaphore(%arg7 : memref<!tpu.dma_semaphore, #tpu.memory_space<semaphore_mem>>)
    %broadcast_in_dim3A_213 = arith.constant 0.000000e+00 : f32
    %broadcast_in_dim3A_214 = vector.broadcast %broadcast_in_dim3A_213 : f32 to vector<16xf32>
    %scan3A = arith.constant 0 : i32
    %scan3A_215 = arith.constant 0 : i32
    %scan3A_216 = arith.constant 128 : i32
    %scan3A_217 = arith.addi %scan3A_215, %scan3A_216 : i32
    %scan3A_218 = arith.constant 1 : i32
    %scan3A_219 = scf.for %scan3A_376 = %scan3A_215 to %scan3A_217 step %scan3A_218 iter_args(%scan3A_377 = %scan3A) -> (i32)  : i32 {
      %jit3A_378 = arith.constant 4 : i32
      %eq3A_379 = arith.constant 0 : i32
      %eq3A_380 = arith.cmpi eq, %jit3A_378, %eq3A_379 : i32
      %jit3A_381 = arith.constant 1 : i32
      %select_n3A_382 = arith.select %eq3A_380, %jit3A_381, %jit3A_378 : i32
      %rem3A_383 = arith.remsi %scan3A_376, %select_n3A_382 : i32
      %ne3A_384 = arith.constant 0 : i32
      %ne3A_385 = arith.cmpi ne, %rem3A_383, %ne3A_384 : i32
      %lt3A_386 = arith.constant 0 : i32
      %lt3A_387 = arith.cmpi slt, %rem3A_383, %lt3A_386 : i32
      %lt3A_388 = arith.constant 0 : i32
      %lt3A_389 = arith.cmpi slt, %select_n3A_382, %lt3A_388 : i32
      %ne3A_390 = arith.xori %lt3A_387, %lt3A_389 : i1
      %and3A_391 = arith.andi %ne3A_390, %ne3A_385 : i1
      %add3A_392 = arith.addi %rem3A_383, %select_n3A_382 : i32
      %select_n3A_393 = arith.select %and3A_391, %add3A_392, %rem3A_383 : i32
      %jit3A_394 = arith.constant 4 : i32
      %div3A = arith.divsi %scan3A_376, %jit3A_394 : i32
      %sign3A = arith.constant 0 : i32
      %sign3A_395 = arith.cmpi sgt, %scan3A_376, %sign3A : i32
      %sign3A_396 = arith.extui %sign3A_395 : i1 to i32
      %sign3A_397 = arith.constant 0 : i32
      %sign3A_398 = arith.cmpi slt, %scan3A_376, %sign3A_397 : i32
      %sign3A_399 = arith.extui %sign3A_398 : i1 to i32
      %sign3A_400 = arith.subi %sign3A_396, %sign3A_399 : i32
      %sign3A_401 = arith.constant 0 : i32
      %sign3A_402 = arith.cmpi sgt, %jit3A_394, %sign3A_401 : i32
      %sign3A_403 = arith.extui %sign3A_402 : i1 to i32
      %sign3A_404 = arith.constant 0 : i32
      %sign3A_405 = arith.cmpi slt, %jit3A_394, %sign3A_404 : i32
      %sign3A_406 = arith.extui %sign3A_405 : i1 to i32
      %sign3A_407 = arith.subi %sign3A_403, %sign3A_406 : i32
      %ne3A_408 = arith.cmpi ne, %sign3A_400, %sign3A_407 : i32
      %rem3A_409 = arith.remsi %scan3A_376, %jit3A_394 : i32
      %ne3A_410 = arith.constant 0 : i32
      %ne3A_411 = arith.cmpi ne, %rem3A_409, %ne3A_410 : i32
      %and3A_412 = arith.andi %ne3A_408, %ne3A_411 : i1
      %sub3A = arith.constant 1 : i32
      %sub3A_413 = arith.subi %div3A, %sub3A : i32
      %select_n3A_414 = arith.select %and3A_412, %sub3A_413, %div3A : i32
      %swap3A = arith.index_cast %select_n3A_393 : i32 to index
      %swap3A_415 = arith.index_cast %select_n3A_414 : i32 to index
      %swap3A_416 = arith.constant 0 : index
      %swap3A_417 = tpu.vector_load %arg6[%swap3A, %swap3A_415, %swap3A_416] {strides = array<i32>} : memref<4x32x512xf32, #tpu.memory_space<vmem>>, vector<16xf32>,
      tpu.vector_store %arg6[%swap3A, %swap3A_415, %swap3A_416], %broadcast_in_dim3A_214 {strides = array<i32>} : memref<4x32x512xf32, #tpu.memory_space<vmem>>, vector<16xf32>,
      %swap3A_418 = arith.index_cast %select_n3A_393 : i32 to index
      %swap3A_419 = arith.index_cast %select_n3A_414 : i32 to index
      %swap3A_420 = arith.constant 16 : index
      %swap3A_421 = tpu.vector_load %arg6[%swap3A_418, %swap3A_419, %swap3A_420] {strides = array<i32>} : memref<4x32x512xf32, #tpu.memory_space<vmem>>, vector<16xf32>,
      tpu.vector_store %arg6[%swap3A_418, %swap3A_419, %swap3A_420], %broadcast_in_dim3A_214 {strides = array<i32>} : memref<4x32x512xf32, #tpu.memory_space<vmem>>, vector<16xf32>,
      %swap3A_422 = arith.index_cast %select_n3A_393 : i32 to index
      %swap3A_423 = arith.index_cast %select_n3A_414 : i32 to index
      %swap3A_424 = arith.constant 32 : index
      %swap3A_425 = tpu.vector_load %arg6[%swap3A_422, %swap3A_423, %swap3A_424] {strides = array<i32>} : memref<4x32x512xf32, #tpu.memory_space<vmem>>, vector<16xf32>,
      tpu.vector_store %arg6[%swap3A_422, %swap3A_423, %swap3A_424], %broadcast_in_dim3A_214 {strides = array<i32>} : memref<4x32x512xf32, #tpu.memory_space<vmem>>, vector<16xf32>,
      %swap3A_426 = arith.index_cast %select_n3A_393 : i32 to index
      %swap3A_427 = arith.index_cast %select_n3A_414 : i32 to index
      %swap3A_428 = arith.constant 48 : index
      %swap3A_429 = tpu.vector_load %arg6[%swap3A_426, %swap3A_427, %swap3A_428] {strides = array<i32>} : memref<4x32x512xf32, #tpu.memory_space<vmem>>, vector<16xf32>,
      tpu.vector_store %arg6[%swap3A_426, %swap3A_427, %swap3A_428], %broadcast_in_dim3A_214 {strides = array<i32>} : memref<4x32x512xf32, #tpu.memory_space<vmem>>, vector<16xf32>,
      %swap3A_430 = arith.index_cast %select_n3A_393 : i32 to index
      %swap3A_431 = arith.index_cast %select_n3A_414 : i32 to index
      %swap3A_432 = arith.constant 64 : index
      %swap3A_433 = tpu.vector_load %arg6[%swap3A_430, %swap3A_431, %swap3A_432] {strides = array<i32>} : memref<4x32x512xf32, #tpu.memory_space<vmem>>, vector<16xf32>,
      tpu.vector_store %arg6[%swap3A_430, %swap3A_431, %swap3A_432], %broadcast_in_dim3A_214 {strides = array<i32>} : memref<4x32x512xf32, #tpu.memory_space<vmem>>, vector<16xf32>,
      %swap3A_434 = arith.index_cast %select_n3A_393 : i32 to index
      %swap3A_435 = arith.index_cast %select_n3A_414 : i32 to index
      %swap3A_436 = arith.constant 80 : index
      %swap3A_437 = tpu.vector_load %arg6[%swap3A_434, %swap3A_435, %swap3A_436] {strides = array<i32>} : memref<4x32x512xf32, #tpu.memory_space<vmem>>, vector<16xf32>,
      tpu.vector_store %arg6[%swap3A_434, %swap3A_435, %swap3A_436], %broadcast_in_dim3A_214 {strides = array<i32>} : memref<4x32x512xf32, #tpu.memory_space<vmem>>, vector<16xf32>,
      %swap3A_438 = arith.index_cast %select_n3A_393 : i32 to index
      %swap3A_439 = arith.index_cast %select_n3A_414 : i32 to index
      %swap3A_440 = arith.constant 96 : index
      %swap3A_441 = tpu.vector_load %arg6[%swap3A_438, %swap3A_439, %swap3A_440] {strides = array<i32>} : memref<4x32x512xf32, #tpu.memory_space<vmem>>, vector<16xf32>,
      tpu.vector_store %arg6[%swap3A_438, %swap3A_439, %swap3A_440], %broadcast_in_dim3A_214 {strides = array<i32>} : memref<4x32x512xf32, #tpu.memory_space<vmem>>, vector<16xf32>,
      %swap3A_442 = arith.index_cast %select_n3A_393 : i32 to index
      %swap3A_443 = arith.index_cast %select_n3A_414 : i32 to index
      %swap3A_444 = arith.constant 112 : index
      %swap3A_445 = tpu.vector_load %arg6[%swap3A_442, %swap3A_443, %swap3A_444] {strides = array<i32>} : memref<4x32x512xf32, #tpu.memory_space<vmem>>, vector<16xf32>,
      tpu.vector_store %arg6[%swap3A_442, %swap3A_443, %swap3A_444], %broadcast_in_dim3A_214 {strides = array<i32>} : memref<4x32x512xf32, #tpu.memory_space<vmem>>, vector<16xf32>,
      %swap3A_446 = arith.index_cast %select_n3A_393 : i32 to index
      %swap3A_447 = arith.index_cast %select_n3A_414 : i32 to index
      %swap3A_448 = arith.constant 128 : index
      %swap3A_449 = tpu.vector_load %arg6[%swap3A_446, %swap3A_447, %swap3A_448] {strides = array<i32>} : memref<4x32x512xf32, #tpu.memory_space<vmem>>, vector<16xf32>,
      tpu.vector_store %arg6[%swap3A_446, %swap3A_447, %swap3A_448], %broadcast_in_dim3A_214 {strides = array<i32>} : memref<4x32x512xf32, #tpu.memory_space<vmem>>, vector<16xf32>,
      %swap3A_450 = arith.index_cast %select_n3A_393 : i32 to index
      %swap3A_451 = arith.index_cast %select_n3A_414 : i32 to index
      %swap3A_452 = arith.constant 144 : index
      %swap3A_453 = tpu.vector_load %arg6[%swap3A_450, %swap3A_451, %swap3A_452] {strides = array<i32>} : memref<4x32x512xf32, #tpu.memory_space<vmem>>, vector<16xf32>,
      tpu.vector_store %arg6[%swap3A_450, %swap3A_451, %swap3A_452], %broadcast_in_dim3A_214 {strides = array<i32>} : memref<4x32x512xf32, #tpu.memory_space<vmem>>, vector<16xf32>,
      %swap3A_454 = arith.index_cast %select_n3A_393 : i32 to index
      %swap3A_455 = arith.index_cast %select_n3A_414 : i32 to index
      %swap3A_456 = arith.constant 160 : index
      %swap3A_457 = tpu.vector_load %arg6[%swap3A_454, %swap3A_455, %swap3A_456] {strides = array<i32>} : memref<4x32x512xf32, #tpu.memory_space<vmem>>, vector<16xf32>,
      tpu.vector_store %arg6[%swap3A_454, %swap3A_455, %swap3A_456], %broadcast_in_dim3A_214 {strides = array<i32>} : memref<4x32x512xf32, #tpu.memory_space<vmem>>, vector<16xf32>,
      %swap3A_458 = arith.index_cast %select_n3A_393 : i32 to index
      %swap3A_459 = arith.index_cast %select_n3A_414 : i32 to index
      %swap3A_460 = arith.constant 176 : index
      %swap3A_461 = tpu.vector_load %arg6[%swap3A_458, %swap3A_459, %swap3A_460] {strides = array<i32>} : memref<4x32x512xf32, #tpu.memory_space<vmem>>, vector<16xf32>,
      tpu.vector_store %arg6[%swap3A_458, %swap3A_459, %swap3A_460], %broadcast_in_dim3A_214 {strides = array<i32>} : memref<4x32x512xf32, #tpu.memory_space<vmem>>, vector<16xf32>,
      %swap3A_462 = arith.index_cast %select_n3A_393 : i32 to index
      %swap3A_463 = arith.index_cast %select_n3A_414 : i32 to index
      %swap3A_464 = arith.constant 192 : index
      %swap3A_465 = tpu.vector_load %arg6[%swap3A_462, %swap3A_463, %swap3A_464] {strides = array<i32>} : memref<4x32x512xf32, #tpu.memory_space<vmem>>, vector<16xf32>,
      tpu.vector_store %arg6[%swap3A_462, %swap3A_463, %swap3A_464], %broadcast_in_dim3A_214 {strides = array<i32>} : memref<4x32x512xf32, #tpu.memory_space<vmem>>, vector<16xf32>,
      %swap3A_466 = arith.index_cast %select_n3A_393 : i32 to index
      %swap3A_467 = arith.index_cast %select_n3A_414 : i32 to index
      %swap3A_468 = arith.constant 208 : index
      %swap3A_469 = tpu.vector_load %arg6[%swap3A_466, %swap3A_467, %swap3A_468] {strides = array<i32>} : memref<4x32x512xf32, #tpu.memory_space<vmem>>, vector<16xf32>,
      tpu.vector_store %arg6[%swap3A_466, %swap3A_467, %swap3A_468], %broadcast_in_dim3A_214 {strides = array<i32>} : memref<4x32x512xf32, #tpu.memory_space<vmem>>, vector<16xf32>,
      %swap3A_470 = arith.index_cast %select_n3A_393 : i32 to index
      %swap3A_471 = arith.index_cast %select_n3A_414 : i32 to index
      %swap3A_472 = arith.constant 224 : index
      %swap3A_473 = tpu.vector_load %arg6[%swap3A_470, %swap3A_471, %swap3A_472] {strides = array<i32>} : memref<4x32x512xf32, #tpu.memory_space<vmem>>, vector<16xf32>,
      tpu.vector_store %arg6[%swap3A_470, %swap3A_471, %swap3A_472], %broadcast_in_dim3A_214 {strides = array<i32>} : memref<4x32x512xf32, #tpu.memory_space<vmem>>, vector<16xf32>,
      %swap3A_474 = arith.index_cast %select_n3A_393 : i32 to index
      %swap3A_475 = arith.index_cast %select_n3A_414 : i32 to index
      %swap3A_476 = arith.constant 240 : index
      %swap3A_477 = tpu.vector_load %arg6[%swap3A_474, %swap3A_475, %swap3A_476] {strides = array<i32>} : memref<4x32x512xf32, #tpu.memory_space<vmem>>, vector<16xf32>,
      tpu.vector_store %arg6[%swap3A_474, %swap3A_475, %swap3A_476], %broadcast_in_dim3A_214 {strides = array<i32>} : memref<4x32x512xf32, #tpu.memory_space<vmem>>, vector<16xf32>,
      %swap3A_478 = arith.index_cast %select_n3A_393 : i32 to index
      %swap3A_479 = arith.index_cast %select_n3A_414 : i32 to index
      %swap3A_480 = arith.constant 256 : index
      %swap3A_481 = tpu.vector_load %arg6[%swap3A_478, %swap3A_479, %swap3A_480] {strides = array<i32>} : memref<4x32x512xf32, #tpu.memory_space<vmem>>, vector<16xf32>,
      tpu.vector_store %arg6[%swap3A_478, %swap3A_479, %swap3A_480], %broadcast_in_dim3A_214 {strides = array<i32>} : memref<4x32x512xf32, #tpu.memory_space<vmem>>, vector<16xf32>,
      %swap3A_482 = arith.index_cast %select_n3A_393 : i32 to index
      %swap3A_483 = arith.index_cast %select_n3A_414 : i32 to index
      %swap3A_484 = arith.constant 272 : index
      %swap3A_485 = tpu.vector_load %arg6[%swap3A_482, %swap3A_483, %swap3A_484] {strides = array<i32>} : memref<4x32x512xf32, #tpu.memory_space<vmem>>, vector<16xf32>,
      tpu.vector_store %arg6[%swap3A_482, %swap3A_483, %swap3A_484], %broadcast_in_dim3A_214 {strides = array<i32>} : memref<4x32x512xf32, #tpu.memory_space<vmem>>, vector<16xf32>,
      %swap3A_486 = arith.index_cast %select_n3A_393 : i32 to index
      %swap3A_487 = arith.index_cast %select_n3A_414 : i32 to index
      %swap3A_488 = arith.constant 288 : index
      %swap3A_489 = tpu.vector_load %arg6[%swap3A_486, %swap3A_487, %swap3A_488] {strides = array<i32>} : memref<4x32x512xf32, #tpu.memory_space<vmem>>, vector<16xf32>,
      tpu.vector_store %arg6[%swap3A_486, %swap3A_487, %swap3A_488], %broadcast_in_dim3A_214 {strides = array<i32>} : memref<4x32x512xf32, #tpu.memory_space<vmem>>, vector<16xf32>,
      %swap3A_490 = arith.index_cast %select_n3A_393 : i32 to index
      %swap3A_491 = arith.index_cast %select_n3A_414 : i32 to index
      %swap3A_492 = arith.constant 304 : index
      %swap3A_493 = tpu.vector_load %arg6[%swap3A_490, %swap3A_491, %swap3A_492] {strides = array<i32>} : memref<4x32x512xf32, #tpu.memory_space<vmem>>, vector<16xf32>,
      tpu.vector_store %arg6[%swap3A_490, %swap3A_491, %swap3A_492], %broadcast_in_dim3A_214 {strides = array<i32>} : memref<4x32x512xf32, #tpu.memory_space<vmem>>, vector<16xf32>,
      %swap3A_494 = arith.index_cast %select_n3A_393 : i32 to index
      %swap3A_495 = arith.index_cast %select_n3A_414 : i32 to index
      %swap3A_496 = arith.constant 320 : index
      %swap3A_497 = tpu.vector_load %arg6[%swap3A_494, %swap3A_495, %swap3A_496] {strides = array<i32>} : memref<4x32x512xf32, #tpu.memory_space<vmem>>, vector<16xf32>,
      tpu.vector_store %arg6[%swap3A_494, %swap3A_495, %swap3A_496], %broadcast_in_dim3A_214 {strides = array<i32>} : memref<4x32x512xf32, #tpu.memory_space<vmem>>, vector<16xf32>,
      %swap3A_498 = arith.index_cast %select_n3A_393 : i32 to index
      %swap3A_499 = arith.index_cast %select_n3A_414 : i32 to index
      %swap3A_500 = arith.constant 336 : index
      %swap3A_501 = tpu.vector_load %arg6[%swap3A_498, %swap3A_499, %swap3A_500] {strides = array<i32>} : memref<4x32x512xf32, #tpu.memory_space<vmem>>, vector<16xf32>,
      tpu.vector_store %arg6[%swap3A_498, %swap3A_499, %swap3A_500], %broadcast_in_dim3A_214 {strides = array<i32>} : memref<4x32x512xf32, #tpu.memory_space<vmem>>, vector<16xf32>,
      %swap3A_502 = arith.index_cast %select_n3A_393 : i32 to index
      %swap3A_503 = arith.index_cast %select_n3A_414 : i32 to index
      %swap3A_504 = arith.constant 352 : index
      %swap3A_505 = tpu.vector_load %arg6[%swap3A_502, %swap3A_503, %swap3A_504] {strides = array<i32>} : memref<4x32x512xf32, #tpu.memory_space<vmem>>, vector<16xf32>,
      tpu.vector_store %arg6[%swap3A_502, %swap3A_503, %swap3A_504], %broadcast_in_dim3A_214 {strides = array<i32>} : memref<4x32x512xf32, #tpu.memory_space<vmem>>, vector<16xf32>,
      %swap3A_506 = arith.index_cast %select_n3A_393 : i32 to index
      %swap3A_507 = arith.index_cast %select_n3A_414 : i32 to index
      %swap3A_508 = arith.constant 368 : index
      %swap3A_509 = tpu.vector_load %arg6[%swap3A_506, %swap3A_507, %swap3A_508] {strides = array<i32>} : memref<4x32x512xf32, #tpu.memory_space<vmem>>, vector<16xf32>,
      tpu.vector_store %arg6[%swap3A_506, %swap3A_507, %swap3A_508], %broadcast_in_dim3A_214 {strides = array<i32>} : memref<4x32x512xf32, #tpu.memory_space<vmem>>, vector<16xf32>,
      %swap3A_510 = arith.index_cast %select_n3A_393 : i32 to index
      %swap3A_511 = arith.index_cast %select_n3A_414 : i32 to index
      %swap3A_512 = arith.constant 384 : index
      %swap3A_513 = tpu.vector_load %arg6[%swap3A_510, %swap3A_511, %swap3A_512] {strides = array<i32>} : memref<4x32x512xf32, #tpu.memory_space<vmem>>, vector<16xf32>,
      tpu.vector_store %arg6[%swap3A_510, %swap3A_511, %swap3A_512], %broadcast_in_dim3A_214 {strides = array<i32>} : memref<4x32x512xf32, #tpu.memory_space<vmem>>, vector<16xf32>,
      %swap3A_514 = arith.index_cast %select_n3A_393 : i32 to index
      %swap3A_515 = arith.index_cast %select_n3A_414 : i32 to index
      %swap3A_516 = arith.constant 400 : index
      %swap3A_517 = tpu.vector_load %arg6[%swap3A_514, %swap3A_515, %swap3A_516] {strides = array<i32>} : memref<4x32x512xf32, #tpu.memory_space<vmem>>, vector<16xf32>,
      tpu.vector_store %arg6[%swap3A_514, %swap3A_515, %swap3A_516], %broadcast_in_dim3A_214 {strides = array<i32>} : memref<4x32x512xf32, #tpu.memory_space<vmem>>, vector<16xf32>,
      %swap3A_518 = arith.index_cast %select_n3A_393 : i32 to index
      %swap3A_519 = arith.index_cast %select_n3A_414 : i32 to index
      %swap3A_520 = arith.constant 416 : index
      %swap3A_521 = tpu.vector_load %arg6[%swap3A_518, %swap3A_519, %swap3A_520] {strides = array<i32>} : memref<4x32x512xf32, #tpu.memory_space<vmem>>, vector<16xf32>,
      tpu.vector_store %arg6[%swap3A_518, %swap3A_519, %swap3A_520], %broadcast_in_dim3A_214 {strides = array<i32>} : memref<4x32x512xf32, #tpu.memory_space<vmem>>, vector<16xf32>,
      %swap3A_522 = arith.index_cast %select_n3A_393 : i32 to index
      %swap3A_523 = arith.index_cast %select_n3A_414 : i32 to index
      %swap3A_524 = arith.constant 432 : index
      %swap3A_525 = tpu.vector_load %arg6[%swap3A_522, %swap3A_523, %swap3A_524] {strides = array<i32>} : memref<4x32x512xf32, #tpu.memory_space<vmem>>, vector<16xf32>,
      tpu.vector_store %arg6[%swap3A_522, %swap3A_523, %swap3A_524], %broadcast_in_dim3A_214 {strides = array<i32>} : memref<4x32x512xf32, #tpu.memory_space<vmem>>, vector<16xf32>,
      %swap3A_526 = arith.index_cast %select_n3A_393 : i32 to index
      %swap3A_527 = arith.index_cast %select_n3A_414 : i32 to index
      %swap3A_528 = arith.constant 448 : index
      %swap3A_529 = tpu.vector_load %arg6[%swap3A_526, %swap3A_527, %swap3A_528] {strides = array<i32>} : memref<4x32x512xf32, #tpu.memory_space<vmem>>, vector<16xf32>,
      tpu.vector_store %arg6[%swap3A_526, %swap3A_527, %swap3A_528], %broadcast_in_dim3A_214 {strides = array<i32>} : memref<4x32x512xf32, #tpu.memory_space<vmem>>, vector<16xf32>,
      %swap3A_530 = arith.index_cast %select_n3A_393 : i32 to index
      %swap3A_531 = arith.index_cast %select_n3A_414 : i32 to index
      %swap3A_532 = arith.constant 464 : index
      %swap3A_533 = tpu.vector_load %arg6[%swap3A_530, %swap3A_531, %swap3A_532] {strides = array<i32>} : memref<4x32x512xf32, #tpu.memory_space<vmem>>, vector<16xf32>,
      tpu.vector_store %arg6[%swap3A_530, %swap3A_531, %swap3A_532], %broadcast_in_dim3A_214 {strides = array<i32>} : memref<4x32x512xf32, #tpu.memory_space<vmem>>, vector<16xf32>,
      %swap3A_534 = arith.index_cast %select_n3A_393 : i32 to index
      %swap3A_535 = arith.index_cast %select_n3A_414 : i32 to index
      %swap3A_536 = arith.constant 480 : index
      %swap3A_537 = tpu.vector_load %arg6[%swap3A_534, %swap3A_535, %swap3A_536] {strides = array<i32>} : memref<4x32x512xf32, #tpu.memory_space<vmem>>, vector<16xf32>,
      tpu.vector_store %arg6[%swap3A_534, %swap3A_535, %swap3A_536], %broadcast_in_dim3A_214 {strides = array<i32>} : memref<4x32x512xf32, #tpu.memory_space<vmem>>, vector<16xf32>,
      %swap3A_538 = arith.index_cast %select_n3A_393 : i32 to index
      %swap3A_539 = arith.index_cast %select_n3A_414 : i32 to index
      %swap3A_540 = arith.constant 496 : index
      %swap3A_541 = tpu.vector_load %arg6[%swap3A_538, %swap3A_539, %swap3A_540] {strides = array<i32>} : memref<4x32x512xf32, #tpu.memory_space<vmem>>, vector<16xf32>,
      tpu.vector_store %arg6[%swap3A_538, %swap3A_539, %swap3A_540], %broadcast_in_dim3A_214 {strides = array<i32>} : memref<4x32x512xf32, #tpu.memory_space<vmem>>, vector<16xf32>,
      %scan3A_542 = arith.constant 0 : i32
      scf.yield %scan3A_542 : i32
    }
    %scan3A_220 = arith.constant 128 : i32
    %broadcast_in_dim3A_221 = arith.constant 1.000000e+00 : f32
    %broadcast_in_dim3A_222 = vector.broadcast %broadcast_in_dim3A_221 : f32 to vector<16xf32>
    %broadcast_in_dim3A_223 = arith.constant 0 : i32
    %broadcast_in_dim3A_224 = vector.broadcast %broadcast_in_dim3A_223 : i32 to vector<16xi32>
    tpu.vector_store_idx %arg6[%broadcast_in_dim3A_224, %iota3A, %select_n3A_88], %broadcast_in_dim3A_222 : memref<4x32x512xf32, #tpu.memory_space<vmem>>[vector<16xi32>, vector<16xi32>, vector<16xi32>], vector<16xf32>,
    %add3A_225 = arith.constant 16 : i32
    %add3A_226 = vector.broadcast %add3A_225 : i32 to vector<16xi32>
    %add3A_227 = arith.addi %iota3A, %add3A_226 : vector<16xi32>
    tpu.vector_store_idx %arg6[%broadcast_in_dim3A_224, %add3A_227, %select_n3A_180], %broadcast_in_dim3A_222 : memref<4x32x512xf32, #tpu.memory_space<vmem>>[vector<16xi32>, vector<16xi32>, vector<16xi32>], vector<16xf32>,
    %broadcast_in_dim3A_228 = arith.constant 1 : i32
    %broadcast_in_dim3A_229 = vector.broadcast %broadcast_in_dim3A_228 : i32 to vector<16xi32>
    tpu.vector_store_idx %arg6[%broadcast_in_dim3A_229, %iota3A, %select_n3A_88], %broadcast_in_dim3A_222 : memref<4x32x512xf32, #tpu.memory_space<vmem>>[vector<16xi32>, vector<16xi32>, vector<16xi32>], vector<16xf32>,
    %add3A_230 = arith.constant 16 : i32
    %add3A_231 = vector.broadcast %add3A_230 : i32 to vector<16xi32>
    %add3A_232 = arith.addi %iota3A, %add3A_231 : vector<16xi32>
    tpu.vector_store_idx %arg6[%broadcast_in_dim3A_229, %add3A_232, %select_n3A_180], %broadcast_in_dim3A_222 : memref<4x32x512xf32, #tpu.memory_space<vmem>>[vector<16xi32>, vector<16xi32>, vector<16xi32>], vector<16xf32>,
    %broadcast_in_dim3A_233 = arith.constant 2 : i32
    %broadcast_in_dim3A_234 = vector.broadcast %broadcast_in_dim3A_233 : i32 to vector<16xi32>
    tpu.vector_store_idx %arg6[%broadcast_in_dim3A_234, %iota3A, %select_n3A_88], %broadcast_in_dim3A_222 : memref<4x32x512xf32, #tpu.memory_space<vmem>>[vector<16xi32>, vector<16xi32>, vector<16xi32>], vector<16xf32>,
    %add3A_235 = arith.constant 16 : i32
    %add3A_236 = vector.broadcast %add3A_235 : i32 to vector<16xi32>
    %add3A_237 = arith.addi %iota3A, %add3A_236 : vector<16xi32>
    tpu.vector_store_idx %arg6[%broadcast_in_dim3A_234, %add3A_237, %select_n3A_180], %broadcast_in_dim3A_222 : memref<4x32x512xf32, #tpu.memory_space<vmem>>[vector<16xi32>, vector<16xi32>, vector<16xi32>], vector<16xf32>,
    %broadcast_in_dim3A_238 = arith.constant 3 : i32
    %broadcast_in_dim3A_239 = vector.broadcast %broadcast_in_dim3A_238 : i32 to vector<16xi32>
    tpu.vector_store_idx %arg6[%broadcast_in_dim3A_239, %iota3A, %select_n3A_88], %broadcast_in_dim3A_222 : memref<4x32x512xf32, #tpu.memory_space<vmem>>[vector<16xi32>, vector<16xi32>, vector<16xi32>], vector<16xf32>,
    %add3A_240 = arith.constant 16 : i32
    %add3A_241 = vector.broadcast %add3A_240 : i32 to vector<16xi32>
    %add3A_242 = arith.addi %iota3A, %add3A_241 : vector<16xi32>
    tpu.vector_store_idx %arg6[%broadcast_in_dim3A_239, %add3A_242, %select_n3A_180], %broadcast_in_dim3A_222 : memref<4x32x512xf32, #tpu.memory_space<vmem>>[vector<16xi32>, vector<16xi32>, vector<16xi32>], vector<16xf32>,
    %mul3A_243 = arith.constant 32 : i32
    %mul3A_244 = arith.muli %add3A, %mul3A_243 : i32
    %add3A_245 = arith.constant 0 : i32
    %add3A_246 = arith.addi %mul3A_244, %add3A_245 : i32
    %dma_start3A_247 = arith.constant 0 : i32
    %dma_start3A_248 = arith.constant 0 : i32
    %dma_start3A_249 = tpu.memref_slice %arg4[%add3A_246, %dma_start3A_247, %dma_start3A_248] : memref<1024x32x512xf32, #tpu.memory_space<hbm>> -> memref<4x32x512xf32, #tpu.memory_space<hbm>>
    %dma_start3A_250 = arith.constant 0 : i32
    %dma_start3A_251 = arith.constant 0 : i32
    %dma_start3A_252 = tpu.memref_slice %arg4[%add3A_246, %dma_start3A_250, %dma_start3A_251] : memref<1024x32x512xf32, #tpu.memory_space<hbm>> -> memref<4x32x512xf32, #tpu.memory_space<hbm>>
    tpu.enqueue_dma source(%arg6 : memref<4x32x512xf32, #tpu.memory_space<vmem>>) target(%dma_start3A_252 : memref<4x32x512xf32, #tpu.memory_space<hbm>>) target_semaphore(%arg8 : memref<!tpu.dma_semaphore, #tpu.memory_space<semaphore_mem>>)
    %mul3A_253 = arith.constant 32 : i32
    %mul3A_254 = arith.muli %add3A, %mul3A_253 : i32
    %add3A_255 = arith.constant 4 : i32
    %add3A_256 = arith.addi %mul3A_254, %add3A_255 : i32
    %dma_start3A_257 = arith.constant 0 : i32
    %dma_start3A_258 = arith.constant 0 : i32
    %dma_start3A_259 = tpu.memref_slice %arg4[%add3A_256, %dma_start3A_257, %dma_start3A_258] : memref<1024x32x512xf32, #tpu.memory_space<hbm>> -> memref<4x32x512xf32, #tpu.memory_space<hbm>>
    %dma_start3A_260 = arith.constant 0 : i32
    %dma_start3A_261 = arith.constant 0 : i32
    %dma_start3A_262 = tpu.memref_slice %arg4[%add3A_256, %dma_start3A_260, %dma_start3A_261] : memref<1024x32x512xf32, #tpu.memory_space<hbm>> -> memref<4x32x512xf32, #tpu.memory_space<hbm>>
    tpu.enqueue_dma source(%arg6 : memref<4x32x512xf32, #tpu.memory_space<vmem>>) target(%dma_start3A_262 : memref<4x32x512xf32, #tpu.memory_space<hbm>>) target_semaphore(%arg8 : memref<!tpu.dma_semaphore, #tpu.memory_space<semaphore_mem>>)
    %mul3A_263 = arith.constant 32 : i32
    %mul3A_264 = arith.muli %add3A, %mul3A_263 : i32
    %add3A_265 = arith.constant 8 : i32
    %add3A_266 = arith.addi %mul3A_264, %add3A_265 : i32
    %dma_start3A_267 = arith.constant 0 : i32
    %dma_start3A_268 = arith.constant 0 : i32
    %dma_start3A_269 = tpu.memref_slice %arg4[%add3A_266, %dma_start3A_267, %dma_start3A_268] : memref<1024x32x512xf32, #tpu.memory_space<hbm>> -> memref<4x32x512xf32, #tpu.memory_space<hbm>>
    %dma_start3A_270 = arith.constant 0 : i32
    %dma_start3A_271 = arith.constant 0 : i32
    %dma_start3A_272 = tpu.memref_slice %arg4[%add3A_266, %dma_start3A_270, %dma_start3A_271] : memref<1024x32x512xf32, #tpu.memory_space<hbm>> -> memref<4x32x512xf32, #tpu.memory_space<hbm>>
    tpu.enqueue_dma source(%arg6 : memref<4x32x512xf32, #tpu.memory_space<vmem>>) target(%dma_start3A_272 : memref<4x32x512xf32, #tpu.memory_space<hbm>>) target_semaphore(%arg8 : memref<!tpu.dma_semaphore, #tpu.memory_space<semaphore_mem>>)
    %mul3A_273 = arith.constant 32 : i32
    %mul3A_274 = arith.muli %add3A, %mul3A_273 : i32
    %add3A_275 = arith.constant 12 : i32
    %add3A_276 = arith.addi %mul3A_274, %add3A_275 : i32
    %dma_start3A_277 = arith.constant 0 : i32
    %dma_start3A_278 = arith.constant 0 : i32
    %dma_start3A_279 = tpu.memref_slice %arg4[%add3A_276, %dma_start3A_277, %dma_start3A_278] : memref<1024x32x512xf32, #tpu.memory_space<hbm>> -> memref<4x32x512xf32, #tpu.memory_space<hbm>>
    %dma_start3A_280 = arith.constant 0 : i32
    %dma_start3A_281 = arith.constant 0 : i32
    %dma_start3A_282 = tpu.memref_slice %arg4[%add3A_276, %dma_start3A_280, %dma_start3A_281] : memref<1024x32x512xf32, #tpu.memory_space<hbm>> -> memref<4x32x512xf32, #tpu.memory_space<hbm>>
    tpu.enqueue_dma source(%arg6 : memref<4x32x512xf32, #tpu.memory_space<vmem>>) target(%dma_start3A_282 : memref<4x32x512xf32, #tpu.memory_space<hbm>>) target_semaphore(%arg8 : memref<!tpu.dma_semaphore, #tpu.memory_space<semaphore_mem>>)
    %mul3A_283 = arith.constant 32 : i32
    %mul3A_284 = arith.muli %add3A, %mul3A_283 : i32
    %add3A_285 = arith.constant 16 : i32
    %add3A_286 = arith.addi %mul3A_284, %add3A_285 : i32
    %dma_start3A_287 = arith.constant 0 : i32
    %dma_start3A_288 = arith.constant 0 : i32
    %dma_start3A_289 = tpu.memref_slice %arg4[%add3A_286, %dma_start3A_287, %dma_start3A_288] : memref<1024x32x512xf32, #tpu.memory_space<hbm>> -> memref<4x32x512xf32, #tpu.memory_space<hbm>>
    %dma_start3A_290 = arith.constant 0 : i32
    %dma_start3A_291 = arith.constant 0 : i32
    %dma_start3A_292 = tpu.memref_slice %arg4[%add3A_286, %dma_start3A_290, %dma_start3A_291] : memref<1024x32x512xf32, #tpu.memory_space<hbm>> -> memref<4x32x512xf32, #tpu.memory_space<hbm>>
    tpu.enqueue_dma source(%arg6 : memref<4x32x512xf32, #tpu.memory_space<vmem>>) target(%dma_start3A_292 : memref<4x32x512xf32, #tpu.memory_space<hbm>>) target_semaphore(%arg8 : memref<!tpu.dma_semaphore, #tpu.memory_space<semaphore_mem>>)
    %mul3A_293 = arith.constant 32 : i32
    %mul3A_294 = arith.muli %add3A, %mul3A_293 : i32
    %add3A_295 = arith.constant 20 : i32
    %add3A_296 = arith.addi %mul3A_294, %add3A_295 : i32
    %dma_start3A_297 = arith.constant 0 : i32
    %dma_start3A_298 = arith.constant 0 : i32
    %dma_start3A_299 = tpu.memref_slice %arg4[%add3A_296, %dma_start3A_297, %dma_start3A_298] : memref<1024x32x512xf32, #tpu.memory_space<hbm>> -> memref<4x32x512xf32, #tpu.memory_space<hbm>>
    %dma_start3A_300 = arith.constant 0 : i32
    %dma_start3A_301 = arith.constant 0 : i32
    %dma_start3A_302 = tpu.memref_slice %arg4[%add3A_296, %dma_start3A_300, %dma_start3A_301] : memref<1024x32x512xf32, #tpu.memory_space<hbm>> -> memref<4x32x512xf32, #tpu.memory_space<hbm>>
    tpu.enqueue_dma source(%arg6 : memref<4x32x512xf32, #tpu.memory_space<vmem>>) target(%dma_start3A_302 : memref<4x32x512xf32, #tpu.memory_space<hbm>>) target_semaphore(%arg8 : memref<!tpu.dma_semaphore, #tpu.memory_space<semaphore_mem>>)
    %mul3A_303 = arith.constant 32 : i32
    %mul3A_304 = arith.muli %add3A, %mul3A_303 : i32
    %add3A_305 = arith.constant 24 : i32
    %add3A_306 = arith.addi %mul3A_304, %add3A_305 : i32
    %dma_start3A_307 = arith.constant 0 : i32
    %dma_start3A_308 = arith.constant 0 : i32
    %dma_start3A_309 = tpu.memref_slice %arg4[%add3A_306, %dma_start3A_307, %dma_start3A_308] : memref<1024x32x512xf32, #tpu.memory_space<hbm>> -> memref<4x32x512xf32, #tpu.memory_space<hbm>>
    %dma_start3A_310 = arith.constant 0 : i32
    %dma_start3A_311 = arith.constant 0 : i32
    %dma_start3A_312 = tpu.memref_slice %arg4[%add3A_306, %dma_start3A_310, %dma_start3A_311] : memref<1024x32x512xf32, #tpu.memory_space<hbm>> -> memref<4x32x512xf32, #tpu.memory_space<hbm>>
    tpu.enqueue_dma source(%arg6 : memref<4x32x512xf32, #tpu.memory_space<vmem>>) target(%dma_start3A_312 : memref<4x32x512xf32, #tpu.memory_space<hbm>>) target_semaphore(%arg8 : memref<!tpu.dma_semaphore, #tpu.memory_space<semaphore_mem>>)
    %mul3A_313 = arith.constant 32 : i32
    %mul3A_314 = arith.muli %add3A, %mul3A_313 : i32
    %add3A_315 = arith.constant 28 : i32
    %add3A_316 = arith.addi %mul3A_314, %add3A_315 : i32
    %dma_start3A_317 = arith.constant 0 : i32
    %dma_start3A_318 = arith.constant 0 : i32
    %dma_start3A_319 = tpu.memref_slice %arg4[%add3A_316, %dma_start3A_317, %dma_start3A_318] : memref<1024x32x512xf32, #tpu.memory_space<hbm>> -> memref<4x32x512xf32, #tpu.memory_space<hbm>>
    %dma_start3A_320 = arith.constant 0 : i32
    %dma_start3A_321 = arith.constant 0 : i32
    %dma_start3A_322 = tpu.memref_slice %arg4[%add3A_316, %dma_start3A_320, %dma_start3A_321] : memref<1024x32x512xf32, #tpu.memory_space<hbm>> -> memref<4x32x512xf32, #tpu.memory_space<hbm>>
    tpu.enqueue_dma source(%arg6 : memref<4x32x512xf32, #tpu.memory_space<vmem>>) target(%dma_start3A_322 : memref<4x32x512xf32, #tpu.memory_space<hbm>>) target_semaphore(%arg8 : memref<!tpu.dma_semaphore, #tpu.memory_space<semaphore_mem>>)
    %dma_wait3A = arith.constant 0 : i32
    %dma_wait3A_323 = arith.constant 0 : i32
    %dma_wait3A_324 = tpu.memref_slice %arg2[%reduce_max3A_207, %dma_wait3A, %dma_wait3A_323] : memref<512x48x1024xf32, #tpu.memory_space<hbm>> -> memref<1x48x1024xf32, #tpu.memory_space<hbm>>
    %dma_wait3A_325 = arith.constant 0 : i32
    %dma_wait3A_326 = arith.constant 0 : i32
    %dma_wait3A_327 = tpu.memref_slice %arg2[%reduce_max3A_207, %dma_wait3A_325, %dma_wait3A_326] : memref<512x48x1024xf32, #tpu.memory_space<hbm>> -> memref<1x48x1024xf32, #tpu.memory_space<hbm>>
    tpu.wait_dma2 semaphore(%arg7 : memref<!tpu.dma_semaphore, #tpu.memory_space<semaphore_mem>>) src(%dma_wait3A_327 : memref<1x48x1024xf32, #tpu.memory_space<hbm>>) dst(%arg5 : memref<1x48x1024xf32, #tpu.memory_space<vmem>>)
    "tpu.region"() ({
      %run_scoped3A = tpu.sem_alloc : memref<!tpu.dma_semaphore, #tpu.memory_space<semaphore_mem>>
      %dma_start3A_376 = arith.constant 0 : i32
      %dma_start3A_377 = arith.constant 0 : i32
      %dma_start3A_378 = tpu.memref_slice %arg3[%add3A, %dma_start3A_376, %dma_start3A_377] : memref<32x48x1024xf32, #tpu.memory_space<hbm>> -> memref<1x48x1024xf32, #tpu.memory_space<hbm>>
      %dma_start3A_379 = arith.constant 0 : i32
      %dma_start3A_380 = arith.constant 0 : i32
      %dma_start3A_381 = tpu.memref_slice %arg3[%add3A, %dma_start3A_379, %dma_start3A_380] : memref<32x48x1024xf32, #tpu.memory_space<hbm>> -> memref<1x48x1024xf32, #tpu.memory_space<hbm>>
      tpu.enqueue_dma source(%arg5 : memref<1x48x1024xf32, #tpu.memory_space<vmem>>) target(%dma_start3A_381 : memref<1x48x1024xf32, #tpu.memory_space<hbm>>) target_semaphore(%run_scoped3A : memref<!tpu.dma_semaphore, #tpu.memory_space<semaphore_mem>>)
      %dma_wait3A_382 = arith.constant 0 : i32
      %dma_wait3A_383 = arith.constant 0 : i32
      %dma_wait3A_384 = tpu.memref_slice %arg3[%add3A, %dma_wait3A_382, %dma_wait3A_383] : memref<32x48x1024xf32, #tpu.memory_space<hbm>> -> memref<1x48x1024xf32, #tpu.memory_space<hbm>>
      %dma_wait3A_385 = arith.constant 0 : i32
      %dma_wait3A_386 = arith.constant 0 : i32
      %dma_wait3A_387 = tpu.memref_slice %arg3[%add3A, %dma_wait3A_385, %dma_wait3A_386] : memref<32x48x1024xf32, #tpu.memory_space<hbm>> -> memref<1x48x1024xf32, #tpu.memory_space<hbm>>
      tpu.wait_dma2 semaphore(%run_scoped3A : memref<!tpu.dma_semaphore, #tpu.memory_space<semaphore_mem>>) src(%arg5 : memref<1x48x1024xf32, #tpu.memory_space<vmem>>) dst(%dma_wait3A_387 : memref<1x48x1024xf32, #tpu.memory_space<hbm>>)
      tpu.yield
    }) : () -> ()
    %dma_wait3A_328 = arith.constant 0 : i32
    %dma_wait3A_329 = arith.constant 0 : i32
    %dma_wait3A_330 = tpu.memref_slice %arg4[%add3A_246, %dma_wait3A_328, %dma_wait3A_329] : memref<1024x32x512xf32, #tpu.memory_space<hbm>> -> memref<4x32x512xf32, #tpu.memory_space<hbm>>
    %dma_wait3A_331 = arith.constant 0 : i32
    %dma_wait3A_332 = arith.constant 0 : i32
    %dma_wait3A_333 = tpu.memref_slice %arg4[%add3A_246, %dma_wait3A_331, %dma_wait3A_332] : memref<1024x32x512xf32, #tpu.memory_space<hbm>> -> memref<4x32x512xf32, #tpu.memory_space<hbm>>
    tpu.wait_dma2 semaphore(%arg8 : memref<!tpu.dma_semaphore, #tpu.memory_space<semaphore_mem>>) src(%arg6 : memref<4x32x512xf32, #tpu.memory_space<vmem>>) dst(%dma_wait3A_333 : memref<4x32x512xf32, #tpu.memory_space<hbm>>)
    %dma_wait3A_334 = arith.constant 0 : i32
    %dma_wait3A_335 = arith.constant 0 : i32
    %dma_wait3A_336 = tpu.memref_slice %arg4[%add3A_256, %dma_wait3A_334, %dma_wait3A_335] : memref<1024x32x512xf32, #tpu.memory_space<hbm>> -> memref<4x32x512xf32, #tpu.memory_space<hbm>>
    %dma_wait3A_337 = arith.constant 0 : i32
    %dma_wait3A_338 = arith.constant 0 : i32
    %dma_wait3A_339 = tpu.memref_slice %arg4[%add3A_256, %dma_wait3A_337, %dma_wait3A_338] : memref<1024x32x512xf32, #tpu.memory_space<hbm>> -> memref<4x32x512xf32, #tpu.memory_space<hbm>>
    tpu.wait_dma2 semaphore(%arg8 : memref<!tpu.dma_semaphore, #tpu.memory_space<semaphore_mem>>) src(%arg6 : memref<4x32x512xf32, #tpu.memory_space<vmem>>) dst(%dma_wait3A_339 : memref<4x32x512xf32, #tpu.memory_space<hbm>>)
    %dma_wait3A_340 = arith.constant 0 : i32
    %dma_wait3A_341 = arith.constant 0 : i32
    %dma_wait3A_342 = tpu.memref_slice %arg4[%add3A_266, %dma_wait3A_340, %dma_wait3A_341] : memref<1024x32x512xf32, #tpu.memory_space<hbm>> -> memref<4x32x512xf32, #tpu.memory_space<hbm>>
    %dma_wait3A_343 = arith.constant 0 : i32
    %dma_wait3A_344 = arith.constant 0 : i32
    %dma_wait3A_345 = tpu.memref_slice %arg4[%add3A_266, %dma_wait3A_343, %dma_wait3A_344] : memref<1024x32x512xf32, #tpu.memory_space<hbm>> -> memref<4x32x512xf32, #tpu.memory_space<hbm>>
    tpu.wait_dma2 semaphore(%arg8 : memref<!tpu.dma_semaphore, #tpu.memory_space<semaphore_mem>>) src(%arg6 : memref<4x32x512xf32, #tpu.memory_space<vmem>>) dst(%dma_wait3A_345 : memref<4x32x512xf32, #tpu.memory_space<hbm>>)
    %dma_wait3A_346 = arith.constant 0 : i32
    %dma_wait3A_347 = arith.constant 0 : i32
    %dma_wait3A_348 = tpu.memref_slice %arg4[%add3A_276, %dma_wait3A_346, %dma_wait3A_347] : memref<1024x32x512xf32, #tpu.memory_space<hbm>> -> memref<4x32x512xf32, #tpu.memory_space<hbm>>
    %dma_wait3A_349 = arith.constant 0 : i32
    %dma_wait3A_350 = arith.constant 0 : i32
    %dma_wait3A_351 = tpu.memref_slice %arg4[%add3A_276, %dma_wait3A_349, %dma_wait3A_350] : memref<1024x32x512xf32, #tpu.memory_space<hbm>> -> memref<4x32x512xf32, #tpu.memory_space<hbm>>
    tpu.wait_dma2 semaphore(%arg8 : memref<!tpu.dma_semaphore, #tpu.memory_space<semaphore_mem>>) src(%arg6 : memref<4x32x512xf32, #tpu.memory_space<vmem>>) dst(%dma_wait3A_351 : memref<4x32x512xf32, #tpu.memory_space<hbm>>)
    %dma_wait3A_352 = arith.constant 0 : i32
    %dma_wait3A_353 = arith.constant 0 : i32
    %dma_wait3A_354 = tpu.memref_slice %arg4[%add3A_286, %dma_wait3A_352, %dma_wait3A_353] : memref<1024x32x512xf32, #tpu.memory_space<hbm>> -> memref<4x32x512xf32, #tpu.memory_space<hbm>>
    %dma_wait3A_355 = arith.constant 0 : i32
    %dma_wait3A_356 = arith.constant 0 : i32
    %dma_wait3A_357 = tpu.memref_slice %arg4[%add3A_286, %dma_wait3A_355, %dma_wait3A_356] : memref<1024x32x512xf32, #tpu.memory_space<hbm>> -> memref<4x32x512xf32, #tpu.memory_space<hbm>>
    tpu.wait_dma2 semaphore(%arg8 : memref<!tpu.dma_semaphore, #tpu.memory_space<semaphore_mem>>) src(%arg6 : memref<4x32x512xf32, #tpu.memory_space<vmem>>) dst(%dma_wait3A_357 : memref<4x32x512xf32, #tpu.memory_space<hbm>>)
    %dma_wait3A_358 = arith.constant 0 : i32
    %dma_wait3A_359 = arith.constant 0 : i32
    %dma_wait3A_360 = tpu.memref_slice %arg4[%add3A_296, %dma_wait3A_358, %dma_wait3A_359] : memref<1024x32x512xf32, #tpu.memory_space<hbm>> -> memref<4x32x512xf32, #tpu.memory_space<hbm>>
    %dma_wait3A_361 = arith.constant 0 : i32
    %dma_wait3A_362 = arith.constant 0 : i32
    %dma_wait3A_363 = tpu.memref_slice %arg4[%add3A_296, %dma_wait3A_361, %dma_wait3A_362] : memref<1024x32x512xf32, #tpu.memory_space<hbm>> -> memref<4x32x512xf32, #tpu.memory_space<hbm>>
    tpu.wait_dma2 semaphore(%arg8 : memref<!tpu.dma_semaphore, #tpu.memory_space<semaphore_mem>>) src(%arg6 : memref<4x32x512xf32, #tpu.memory_space<vmem>>) dst(%dma_wait3A_363 : memref<4x32x512xf32, #tpu.memory_space<hbm>>)
    %dma_wait3A_364 = arith.constant 0 : i32
    %dma_wait3A_365 = arith.constant 0 : i32
    %dma_wait3A_366 = tpu.memref_slice %arg4[%add3A_306, %dma_wait3A_364, %dma_wait3A_365] : memref<1024x32x512xf32, #tpu.memory_space<hbm>> -> memref<4x32x512xf32, #tpu.memory_space<hbm>>
    %dma_wait3A_367 = arith.constant 0 : i32
    %dma_wait3A_368 = arith.constant 0 : i32
    %dma_wait3A_369 = tpu.memref_slice %arg4[%add3A_306, %dma_wait3A_367, %dma_wait3A_368] : memref<1024x32x512xf32, #tpu.memory_space<hbm>> -> memref<4x32x512xf32, #tpu.memory_space<hbm>>
    tpu.wait_dma2 semaphore(%arg8 : memref<!tpu.dma_semaphore, #tpu.memory_space<semaphore_mem>>) src(%arg6 : memref<4x32x512xf32, #tpu.memory_space<vmem>>) dst(%dma_wait3A_369 : memref<4x32x512xf32, #tpu.memory_space<hbm>>)
    %dma_wait3A_370 = arith.constant 0 : i32
    %dma_wait3A_371 = arith.constant 0 : i32
    %dma_wait3A_372 = tpu.memref_slice %arg4[%add3A_316, %dma_wait3A_370, %dma_wait3A_371] : memref<1024x32x512xf32, #tpu.memory_space<hbm>> -> memref<4x32x512xf32, #tpu.memory_space<hbm>>
    %dma_wait3A_373 = arith.constant 0 : i32
    %dma_wait3A_374 = arith.constant 0 : i32
    %dma_wait3A_375 = tpu.memref_slice %arg4[%add3A_316, %dma_wait3A_373, %dma_wait3A_374] : memref<1024x32x512xf32, #tpu.memory_space<hbm>> -> memref<4x32x512xf32, #tpu.memory_space<hbm>>
    tpu.wait_dma2 semaphore(%arg8 : memref<!tpu.dma_semaphore, #tpu.memory_space<semaphore_mem>>) src(%arg6 : memref<4x32x512xf32, #tpu.memory_space<vmem>>) dst(%dma_wait3A_375 : memref<4x32x512xf32, #tpu.memory_space<hbm>>)
    return
  }
}

</mosaic_0001>

<sc_bundles>
// kernel: kernel.3.cloned.1.call-start
scs
__scs_entry_jumppad:
0x0: {  	(pc) =	sbr.rel $0x88, $3  }
0x1: {  	(tag) =	ssettag $0x0;
	lr =	simm.s32 $0x1  }
0x2: {  	[smem:$0x3FA0] =	sst lr;
	_ =	strace $0xD0000000  }
0x3: {  	_ = 	snop  }
0x4: {  	_ = 	snop  }
0x5: {  	_ = 	snop  }
0x6: {  	_ = 	snop  }
0x7: {  	_ = 	snop  }
__scs_overlays_trampoline_lowered:
0x8: {  	[smem:$0x3FAF] =	sst s0  }
0x9: {  	[smem:$0x3FB0] =	sst s1  }
0xa: {  	[smem:$0x3FB1] =	sst s2  }
0xb: {  	[smem:$0x3FB2] =	sst s3  }
0xc: {  	[smem:$0x3FB3] =	sst s4  }
0xd: {  	[smem:$0x3FB4] =	sst s5  }
0xe: {  	[smem:$0x3FB5] =	sst s6  }
0xf: {  	[smem:$0x3FB6] =	sst s7  }
0x10: {  	[smem:$0x3FB7] =	sst s8  }
0x11: {  	[smem:$0x3FB8] =	sst s9;
	s0 =	simm.s32 @!p0 $0x0  }
0x12: {  	s1 =	sld [smem:$0x3F9E];
	s0 =	simm.s32 @p0 $0x1  }
0x13: {  	[smem:$0x3FB9] =	sst s0;
	s0 =	simm.s32 @!p1 $0x0  }
0x14: {  	s2 =	sld [smem:$0x3F9D];
	s0 =	simm.s32 @p1 $0x1  }
0x15: {  	[smem:$0x3FBA] =	sst s0;
	s0 =	simm.s32 @!p2 $0x0  }
0x16: {  	s3 =	sld [smem:$0x3FDB];
	s0 =	simm.s32 @p2 $0x1  }
0x17: {  	s4 =	simm.s32 $0x1BF5;
	[smem:$0x3FBC] =	sst s0  }
0x18: {  	s0 =	sld [smem:$0x3F9F];
	_ =	swait.ge [sflag:s4], $0x0  }
0x19: {  	s7 =	sld [smem:$0x3FA0]  }
0x1a: {  	s8 =	sadd.s32 $0xFFFFE003, lr  }
0x1b: {  	s9 =	sadd.s32 $0xFFFFFEF7, lr;
	s5 =	simm.s32 $0xFFFFFFFF;
	p2 =	slt.u32 s8, $0xFFFFF086  }
0x1c: {  	p1 =	slt.u32 s9, $0xF7A;
	s5 =	simm.s32 @!p2 $0x0  }
0x1d: {  	s5 =	simm.s32 @p1 $0x1;
	p0 =	seq.s32 s7, s2  }
0x1e: {  	s7 =	smul.u32 @!p0 $0xF7A, s2;
	p2 =	seq.s32 @!p0 s5, $0x0  }
0x1f: {  	s9 =	smul.u32 $0xF7A, s1;
	s8 =	simm.s32 @!p0 $0x1BF5;
	p2 =	por !p2, p0  }
0x20: {  	[sflag:s8] =	ssyncset.s32 @!p0 $0xFFFFF086;
	s6 =	sadd.s32 @!p0 s3, s7;
	s7 =	simm.s32 @!p0 $0x108  }
0x21: {  	s3 =	sadd.s32 s3, s9;
	s6 =	sadd.s32 @!p0 $0x88, s6;
	s7 =	simm.s32 @p2 $0x1082  }
0x22: {  	[simem:s7], [sflag:s8] =	dma.local @!p0 [hbm:s6], $0xF7A  }
0x23: {  	s9 =	sor.u32 $0xD0000000, s2;
	s6 =	simm.s32 $0x108;
	_ =	swait.ge @!p0 [sflag:s8], $0x0  }
0x24: {  	s3 =	sadd.s32 $0x88, s3;
	s6 =	simm.s32 @!p1 $0x1082;
	[sflag:s4] =	ssyncset.s32 $0xFFFFF086  }
0x25: {  	[simem:s6], [sflag:s4] =	dma.local [hbm:s3], $0xF7A  }
0x26: {  	[smem:$0x3FA0] =	sst s1;
	(tag) =	ssettag s2;
	_ =	strace s9  }
0x27: {  	s1 =	sld [smem:$0x3FB0]  }
0x28: {  	s2 =	sld [smem:$0x3FB1]  }
0x29: {  	s4 =	sld [smem:$0x3FB3]  }
0x2a: {  	p0 =	seq.s32 s5, $0x0;
	s5 =	sld [smem:$0x3FB4]  }
0x2b: {  	s6 =	sld [smem:$0x3FB5]  }
0x2c: {  	s7 =	sld [smem:$0x3FB6]  }
0x2d: {  	s3 =	simm.s32 $0x108;
	s8 =	sld [smem:$0x3FB7]  }
0x2e: {  	s3 =	simm.s32 @!p0 $0x1082;
	s9 =	sld [smem:$0x3FB8]  }
0x2f: {  	lr =	sadd.s32 s0, s3;
	s0 =	sld [smem:$0x3FAF]  }
0x30: {  	s3 =	sld [smem:$0x3FB2]  }
0x31: {  	[smem:$0x3FBB] =	sst s10  }
0x32: {  	s10 =	sld [smem:$0x3FB9];
	_ =	sdelay $0x3  }
0x33: {  	p0 =	seq.s32 s10, $0x1;
	s10 =	sld [smem:$0x3FBB];
	_ =	sdelay $0x3  }
0x34: {  	[smem:$0x3FBB] =	sst s10  }
0x35: {  	s10 =	sld [smem:$0x3FBA];
	_ =	sdelay $0x3  }
0x36: {  	p1 =	seq.s32 s10, $0x1;
	s10 =	sld [smem:$0x3FBB];
	_ =	sdelay $0x3  }
0x37: {  	[smem:$0x3FBB] =	sst s10  }
0x38: {  	s10 =	sld [smem:$0x3FBC]  }
0x39: {  	_ = 	snop;
	(pc) =	sbr.ind lr, $3  }
0x3a: {  	_ = 	snop  }
0x3b: {  	_ = 	snop  }
0x3c: {  	p2 =	seq.s32 s10, $0x1;
	s10 =	sld [smem:$0x3FBB]  }
0x3d: {  	_ =	shalt  }
0x3e: {  	_ =	shalt  }
0x3f: {  	_ =	shalt  }
0x40: {  	_ =	shalt  }
0x41: {  	_ =	shalt  }
0x42: {  	_ =	shalt  }
0x43: {  	_ =	shalt  }
0x44: {  	_ =	shalt  }
0x45: {  	_ =	shalt  }
0x46: {  	_ =	shalt  }
0x47: {  	_ =	shalt  }
0x48: {  	_ =	shalt  }
0x49: {  	_ =	shalt  }
0x4a: {  	_ =	shalt  }
0x4b: {  	_ =	shalt  }
0x4c: {  	_ =	shalt  }
0x4d: {  	_ =	shalt  }
0x4e: {  	_ =	shalt  }
0x4f: {  	_ =	shalt  }
0x50: {  	_ =	shalt  }
0x51: {  	_ =	shalt  }
0x52: {  	_ =	shalt  }
0x53: {  	_ =	shalt  }
0x54: {  	_ =	shalt  }
0x55: {  	_ =	shalt  }
0x56: {  	_ =	shalt  }
0x57: {  	_ =	shalt  }
0x58: {  	_ =	shalt  }
0x59: {  	_ =	shalt  }
0x5a: {  	_ =	shalt  }
0x5b: {  	_ =	shalt  }
0x5c: {  	_ =	shalt  }
0x5d: {  	_ =	shalt  }
0x5e: {  	_ =	shalt  }
0x5f: {  	_ =	shalt  }
0x60: {  	_ =	shalt  }
0x61: {  	_ =	shalt  }
0x62: {  	_ =	shalt  }
0x63: {  	_ =	shalt  }
0x64: {  	_ =	shalt  }
0x65: {  	_ =	shalt  }
0x66: {  	_ =	shalt  }
0x67: {  	_ =	shalt  }
0x68: {  	_ =	shalt  }
0x69: {  	_ =	shalt  }
0x6a: {  	_ =	shalt  }
0x6b: {  	_ =	shalt  }
0x6c: {  	_ =	shalt  }
0x6d: {  	_ =	shalt  }
0x6e: {  	_ =	shalt  }
0x6f: {  	_ =	shalt  }
0x70: {  	_ =	shalt  }
0x71: {  	_ =	shalt  }
0x72: {  	_ =	shalt  }
0x73: {  	_ =	shalt  }
0x74: {  	_ =	shalt  }
0x75: {  	_ =	shalt  }
0x76: {  	_ =	shalt  }
0x77: {  	_ =	shalt  }
0x78: {  	_ =	shalt  }
0x79: {  	_ =	shalt  }
0x7a: {  	_ =	shalt  }
0x7b: {  	_ =	shalt  }
0x7c: {  	_ =	shalt  }
0x7d: {  	_ =	shalt  }
0x7e: {  	_ =	shalt  }
0x7f: {  	_ =	shalt  }
0x80: {  	_ =	shalt  }
0x81: {  	_ =	shalt  }
0x82: {  	_ =	shalt  }
0x83: {  	_ =	shalt  }
0x84: {  	_ =	shalt  }
0x85: {  	_ =	shalt  }
0x86: {  	_ =	shalt  }
0x87: {  	_ =	shalt  }
.Lfunc_end0:
.L_simem_size_0:
called_computation_lowered:
.L_overlay_start_0:
0x88: {  	s2 =	sld [smem:$0x3FD9]  }
0x89: {  	s3 =	sld [smem:$0x3FFE];
	_ =	sdelay $0x1  }
0x8a: {  	s1 =	srdreg.scid  }
0x8b: {  	s0 =	sand.u32 $0x1, s1  }
0x8c: {  	s15 =	sshll.u32 s0, $0xA;
	s2 =	sadd.s32 s3, s2  }
0x8d: {  	s2 =	sadd.s32 s2, s15  }
0x8e: {  	[smem:$0x3FC7] =	sst s2  }
0x8f: {  	_ = 	snop  }
0x90: {  	s2 =	sld [smem:$0x3FD0];
	_ =	sdelay $0x2  }
0x91: {  	s4 =	simm.s32 $0xA;
	s5 =	simm.s32 $0x10;
	s16 =	sld [smem:$0x3FC9]  }
0x92: {  	[smem:s5], [sflag:s4] =	dma.local [hbm:s2], $0x1  }
0x93: {  	_ =	swait.eq [sflag:s4], $0x1  }
0x94: {  	[sflag:s4] =	ssyncset.done $0x0  }
0x95: {  	s17 =	sld [smem:$0x10];
	[sflag:s4] =	ssyncadd.s32 $0xFFFFFFFF  }
0x96: {  	s18 =	sld [smem:$0x11];
	(tm) =	ssettm $0x1  }
0x97: {  	s19 =	sld [smem:$0x3FFB];
	_ =	sdelay $0x3  }
0x98: {  	_ =	strace s19  }
0x99: {  	s5 =	sld [smem:$0x3FFC];
	_ =	sdelay $0x3  }
0x9a: {  	_ =	strace s5  }
0x9b: {  	s5 =	sld [smem:$0x3FFD];
	_ =	sdelay $0x3  }
0x9c: {  	_ =	strace s5  }
0x9d: {  	_ =	strace $0x8FFFFFFF  }
0x9e: {  	s20 =	sld [smem:$0x3FDB];
	_ =	sdelay $0x1  }
0x9f: {  	s6 =	simm.s32 $_scs_section_size  }
0xa0: {  	s7 =	simm.s32 $_size__tile_overlayer_lowered;
	s8 =	simm.s32 $_tile_overlayer_lowered  }
0xa1: {  	s23 =	simm.s32 $0x1BFF;
	s22 =	sshll.u32 s8, $0x1;
	s5 =	sadd.s32 s6, s20  }
0xa2: {  	s9 =	simm.s32 $0x0;
	s21 =	sshll.u32 s7, $0x1;
	s7 =	sadd.s32 s22, s5  }
0xa3: {  	[timem:s9], [sflag:s23] =	dma.local [hbm:s7], s21  }
0xa4: {  	_ =	swait.ge [sflag:s23], s21  }
0xa5: {  	s6 =	ssub.s32 $0x0, s21;
	[sflag:s23] =	ssyncset.done $0x0  }
0xa6: {  	[sflag:s23] =	ssyncadd.s32 s6;
	_ =	sdelay $0x1  }
0xa7: {  	s24 =	simm.s32 $0x1B8B  }
0xa8: {  	_ =	swait.ge [sflag:s24], $0x1  }
0xa9: {  	[sflag:s24] =	ssyncset.done $0x0  }
0xaa: {  	s25 =	simm.s32 $0x1B8E;
	[sflag:s24] =	ssyncadd.s32 $0xFFFFFFFF  }
0xab: {  	s26 =	simm.s32 $execute0_lowered;
	[smem:$0x3FD2] =	sst s25  }
0xac: {  	s6 =	sshll.u32 s26, $0x1;
	_ =	strace $0x80000046;
	[dreg:$0x1] =	wrdreg $0xFFFFFFFF  }
0xad: {  	s28 =	simm.s32 $_size_execute0_lowered;
	s5 =	sadd.s32 s5, s6;
	[dreg:$0x0] =	wrdreg $0x0  }
0xae: {  	s6 =	sshll.u32 s28, $0x1;
	[dreg:$0x2] =	wrdreg s5  }
0xaf: {  	[dreg:$0x3] =	wrdreg s6  }
0xb0: {  	[dreg:$0x4] =	wrdreg $0xC0  }
0xb1: {  	_ =	task [dreg:s9], $0x5FFFF  }
0xb2: {  	[dreg:$0x1] =	wrdreg $0xFFFFFFFF  }
0xb3: {  	[dreg:$0x0] =	wrdreg $0x60  }
0xb4: {  	[dreg:$0x2] =	wrdreg s16  }
0xb5: {  	[dreg:$0x3] =	wrdreg s17  }
0xb6: {  	[dreg:$0x4] =	wrdreg s18  }
0xb7: {  	[dreg:$0x5] =	wrdreg $0x9  }
0xb8: {  	_ =	task.clear_ibuf [dreg:s9], $0x6FFFF;
	_ =	strace $0x90000046  }
0xb9: {  	s29 =	simm.s32 $0x9;
	_ =	strace $0x80000048  }
0xba: {  	_ =	swait.ge [sflag:s29], $0x1  }
0xbb: {  	[sflag:s29] =	ssyncadd.s32 $0xFFFFFFFF  }
0xbc: {  	_ =	strace $0x90000048  }
0xbd: {  	_ =	sfence  }
0xbe: {  	s30 =	sld [smem:$0x0];
	_ =	sdelay $0x2  }
0xbf: {  	s31 =	sshll.u32 s1, $0xD;
	s1 =	sshrl.u32 s1, $0x2  }
0xc0: {  	s3 =	sand.u32 $0x4000, s31;
	s1 =	sadd.s32 s1, s30  }
0xc1: {  	s0 =	sor.u32 s3, s0;
	s1 =	sshll.u32 s1, $0x11  }
0xc2: {  	s0 =	sor.u32 s1, s0  }
0xc3: {  	s0 =	sadd.s32 $0x8F2B, s0  }
0xc4: {  	[sflag:s0] =	ssyncadd.remote.s32 $0x1  }
0xc5: {  	_ =	sfence.sel $0xFFFF  }
0xc6: {  	[dreg:$0x0] =	wrdreg $0xFFFFFFFF;
	(pc) =	sbr.abs _section_cstart, $3  }
0xc7: {  	[dreg:$0x1] =	wrdreg $0xFFFFFFFF  }
0xc8: {  	_ =	task.clear_ibuf [dreg:s9], $0x2FFFF;
	_ =	strace $0x9FFFFFFF  }
0xc9: {  	(tm) =	ssettm $0x7FFFFFFF  }
tec
execute0_lowered:
.L_overlay_start_1:
0x0: {  	(tag) =	ssettag $0x1  }
0x1: {  	v0 =	vimm.s32 $0x80000145;
	vm11 =	vcmask $0x300;
	vm12 =	vcmask $0x704  }
0x2: {  	vm13 =	vcmask $0xB08;
	v2 =	vlaneseq.u32;
	vm14 =	vcmask $0xF0C  }
0x3: {  	vm10 =	vcmask $0x1310;
	v3 =	vimm.s32 $0x800000B3;
	vm9 =	vcmask $0x1714  }
0x4: {  	vm8 =	vcmask $0x1B18;
	vm7 =	vcmask $0x1F1C;
	vm6 =	vcmask $0x2320  }
0x5: {  	vm5 =	vcmask $0x2724;
	vm4 =	vcmask $0x2B28;
	vm3 =	vcmask $0x2F2C  }
0x6: {  	vm2 =	vcmask $0x3330;
	vm1 =	vcmask $0x3734;
	vm0 =	vcmask $0x3B38  }
0x7: {  	v4 =	vimm.s32 $0x57B3;
	v5 =	vimm.s32 $0x7BC5;
	v6 =	vimm.s32 $0x97B3  }
0x8: {  	v7 =	vimm.s32 $0xBBC5;
	v8 =	vimm.s32 $0xD7B3;
	v9 =	vimm.s32 $0xFBC5  }
0x9: {  	v0 =	vsel vm11, $0x8000008B, v0;
	v3 =	vsel vm11, $0x80000079, v3;
	v4 =	vsel vm11, $0x4079, v4  }
0xa: {  	v5 =	vsel vm11, $0x640B, v5;
	v6 =	vsel vm11, $0x8079, v6;
	v7 =	vsel vm11, $0xA40B, v7  }
0xb: {  	v8 =	vsel vm11, $0xC079, v8;
	v9 =	vsel vm11, $0xE40B, v9;
	v0 =	vsel vm12, $0x8000013B, v0  }
0xc: {  	v3 =	vsel vm12, $0x800001E0, v3;
	v4 =	vsel vm12, $0x4CE0, v4;
	v5 =	vsel vm12, $0x68BB, v5  }
0xd: {  	s1 =	srdreg.scid;
	s0 =	stileid.u32;
	v6 =	vsel vm12, $0x8CE0, v6;
	v7 =	vsel vm12, $0xA8BB, v7;
	v8 =	vsel vm12, $0xCCE0, v8  }
0xe: {  	s3 =	sand.u32 $0x1, s1;
	s31 =	sshll.u32 s0, $0x1;
	v9 =	vsel vm12, $0xE8BB, v9;
	v0 =	vsel vm13, $0x800001F5, v0;
	v3 =	vsel vm13, $0x80000023, v3  }
0xf: {  	s7 =	sor.u32 s3, s31;
	v4 =	vsel vm13, $0x4123, v4;
	v5 =	vsel vm13, $0x6D75, v5;
	v6 =	vsel vm13, $0x8123, v6  }
0x10: {  	s1 =	sand.u32 $0xF, s7;
	v7 =	vsel vm13, $0xAD75, v7;
	v8 =	vsel vm13, $0xC123, v8;
	v9 =	vsel vm13, $0xED75, v9  }
0x11: {  	v1 =	vmov s1;
	v0 =	vsel vm14, $0x800000BC, v0;
	v3 =	vsel vm14, $0x80000082, v3  }
0x12: {  	v4 =	vsel vm14, $0x4582, v4;
	v5 =	vsel vm14, $0x65BC, v5;
	v6 =	vsel vm14, $0x8582, v6  }
0x13: {  	v7 =	vsel vm14, $0xA5BC, v7;
	v0 =	vsel vm10, $0x80000138, v0;
	v3 =	vsel vm10, $0x80000107, v3  }
0x14: {  	v8 =	vsel vm14, $0xC582, v8;
	v0 =	vsel vm9, $0x800001F3, v0;
	v3 =	vsel vm9, $0x80000094, v3  }
0x15: {  	v9 =	vsel vm14, $0xE5BC, v9;
	v0 =	vsel vm8, $0x8000013E, v0;
	v3 =	vsel vm8, $0x800000C5, v3  }
0x16: {  	vm15 =	veq.s32 v1, v2;
	v0 =	vsel vm7, $0x800001C0, v0;
	v3 =	vsel vm7, $0x8000019A, v3  }
0x17: {  	v2 =	vimm.s32 $0x17B3;
	v0 =	vsel vm6, $0x80000130, v0;
	v3 =	vsel vm6, $0x8000018E, v3  }
0x18: {  	v4 =	vsel vm10, $0x4A07, v4;
	v0 =	vsel vm5, $0x80000063, v0;
	v3 =	vsel vm5, $0x8000002D, v3  }
0x19: {  	v5 =	vsel vm10, $0x6A38, v5;
	v0 =	vsel vm4, $0x80000135, v0;
	v1 =	vsel vm4, $0x800000B0, v3  }
0x1a: {  	v6 =	vsel vm10, $0x8A07, v6;
	v0 =	vsel vm3, $0x80000090, v0;
	v1 =	vsel vm3, $0x800001CE, v1  }
0x1b: {  	s4 =	rddreg [dreg:$0x0];
	v7 =	vsel vm10, $0xAA38, v7;
	v0 =	vsel vm2, $0x80000098, v0;
	v1 =	vsel vm2, $0x800001BE, v1  }
0x1c: {  	s12 =	rddreg [dreg:$0x1];
	v8 =	vsel vm10, $0xCA07, v8;
	v0 =	vsel vm1, $0x800000BD, v0;
	v1 =	vsel vm1, $0x8000016E, v1  }
0x1d: {  	s5 =	rddreg [dreg:$0x2];
	s2 =	simm.s32 $0x0;
	p0 =	slt.u32 s0, $0x8;
	v9 =	vsel vm10, $0xEA38, v9;
	v0 =	vsel vm0, $0x800001E7, v0;
	v1 =	vsel vm0, $0x80000101, v1  }
0x1e: {  	[smem:$0x7FF] =	sst s2;
	v2 =	vsel vm11, $0x79, v2;
	v3 =	vimm.s32 $0x3BC5;
	v0 =	vpsel p0, v1, v0  }
0x1f: {  	s1 =	rddreg [dreg:$0x3];
	_ =	strace $0x80000047;
	v4 =	vsel vm9, $0x4694, v4;
	v3 =	vsel vm11, $0x240B, v3;
	v0 =	vnsel vm15, $0x7FFFFFFF, v0  }
0x20: {  	v5 =	vsel vm9, $0x6EF3, v5;
	v2 =	vsel vm12, $0xCE0, v2;
	v3 =	vsel vm12, $0x28BB, v3;
	(xrf0) =	vmax.scan.msk.u32 $0xffff, v0  }
0x21: {  	v6 =	vsel vm9, $0x8694, v6;
	v2 =	vsel vm13, $0x123, v2;
	v3 =	vsel vm13, $0x2D75, v3  }
0x22: {  	v7 =	vsel vm9, $0xAEF3, v7;
	v1 =	vsel vm14, $0x582, v2;
	v2 =	vsel vm14, $0x25BC, v3  }
0x23: {  	v8 =	vsel vm9, $0xC694, v8;
	v9 =	vsel vm9, $0xEEF3, v9;
	v2 =	vsel vm10, $0x2A38, v2  }
0x24: {  	v4 =	vsel vm8, $0x4745, v4;
	v5 =	vsel vm8, $0x6B3E, v5;
	v6 =	vsel vm8, $0x8745, v6  }
0x25: {  	v7 =	vsel vm8, $0xAB3E, v7;
	v8 =	vsel vm8, $0xC745, v8;
	v1 =	vsel vm10, $0xA07, v1  }
0x26: {  	v9 =	vsel vm8, $0xEB3E, v9;
	v0 =	vsel vm9, $0x694, v1;
	v1 =	vsel vm9, $0x2EF3, v2;
	v2, _, _ =	vpop (xrf0)  }
0x27: {  	v4 =	vsel vm7, $0x4F9A, v4;
	v5 =	vsel vm7, $0x6FC0, v5;
	(v2sf) =	vpush v2, $0xF  }
0x28: {  	v6 =	vsel vm7, $0x8F9A, v6;
	v7 =	vsel vm7, $0xAFC0, v7;
	v8 =	vsel vm7, $0xCF9A, v8  }
0x29: {  	v9 =	vsel vm7, $0xEFC0, v9;
	v4 =	vsel vm6, $0x5C0E, v4;
	v5 =	vsel vm6, $0x7830, v5  }
0x2a: {  	v6 =	vsel vm6, $0x9C0E, v6;
	v7 =	vsel vm6, $0xB830, v7;
	v8 =	vsel vm6, $0xDC0E, v8  }
0x2b: {  	v9 =	vsel vm6, $0xF830, v9;
	v4 =	vsel vm5, $0x50AD, v4;
	v5 =	vsel vm5, $0x70E3, v5  }
0x2c: {  	v6 =	vsel vm5, $0x90AD, v6;
	v7 =	vsel vm5, $0xB0E3, v7;
	v8 =	vsel vm5, $0xD0AD, v8  }
0x2d: {  	v9 =	vsel vm5, $0xF0E3, v9;
	v4 =	vsel vm4, $0x5530, v4;
	v5 =	vsel vm4, $0x7935, v5  }
0x2e: {  	v6 =	vsel vm4, $0x9530, v6;
	v7 =	vsel vm4, $0xB935, v7;
	v8 =	vsel vm4, $0xD530, v8  }
0x2f: {  	v9 =	vsel vm4, $0xF935, v9;
	v4 =	vsel vm3, $0x5DCE, v4;
	v5 =	vsel vm3, $0x7590, v5  }
0x30: {  	v6 =	vsel vm3, $0x9DCE, v6;
	v7 =	vsel vm3, $0xB590, v7;
	v8 =	vsel vm3, $0xDDCE, v8  }
0x31: {  	v9 =	vsel vm3, $0xF590, v9;
	v4 =	vsel vm2, $0x5E3E, v4;
	v5 =	vsel vm2, $0x7618, v5  }
0x32: {  	v6 =	vsel vm2, $0x9E3E, v6;
	v7 =	vsel vm2, $0xB618, v7;
	v8 =	vsel vm2, $0xDE3E, v8  }
0x33: {  	v9 =	vsel vm2, $0xF618, v9;
	v4 =	vsel vm1, $0x5AEE, v4;
	v5 =	vsel vm1, $0x76BD, v5  }
0x34: {  	v6 =	vsel vm1, $0x9AEE, v6;
	v7 =	vsel vm1, $0xB6BD, v7;
	v8 =	vsel vm1, $0xDAEE, v8  }
0x35: {  	v9 =	vsel vm1, $0xF6BD, v9;
	v0 =	vsel vm8, $0x745, v0;
	v1 =	vsel vm8, $0x2B3E, v1  }
0x36: {  	s15 =	simm.s32 $0x1;
	s16 =	simm.s32 $0x3;
	v4 =	vsel vm0, $0x5B01, v4;
	v0 =	vsel vm7, $0xF9A, v0;
	v1 =	vsel vm7, $0x2FC0, v1;
	s6 =	spop (v2sf)  }
0x37: {  	s17 =	simm.s32 $0x2;
	s3 =	ssub.s32 $0x2, s3;
	v5 =	vsel vm0, $0x7F67, v5;
	v0 =	vsel vm6, $0x1C0E, v0;
	v1 =	vsel vm6, $0x3830, v1;
	s6 =	smul.u32 $0xC000, s6  }
0x38: {  	s18 =	simm.s32 $0x0;
	s8 =	sshrl.u32 s3, $0x1;
	s14 =	smul.u32 $0x1800, s7;
	v6 =	vsel vm0, $0x9B01, v6;
	v0 =	vsel vm5, $0x10AD, v0;
	v1 =	vsel vm5, $0x30E3, v1  }
0x39: {  	s9 =	sshll.u32 s7, $0x10;
	s13 =	ssub.s32 s3, s8;
	v7 =	vsel vm0, $0xBF67, v7;
	v0 =	vsel vm4, $0x1530, v0;
	v1 =	vsel vm4, $0x3935, v1;
	s6 =	sshrl.u32 s6, $0x3  }
0x3a: {  	s12 =	sadd.s32 s12, s14;
	v8 =	vsel vm0, $0xDB01, v8;
	v0 =	vsel vm3, $0x1DCE, v0;
	v1 =	vsel vm3, $0x3590, v1;
	s3 =	sadd.s32 s4, s6;
	s4 =	sadd.s32 s5, s9  }
0x3b: {  	s13 =	smax.u32 s13, $0x1;
	s14 =	simm.s32 $0xC000;
	v9 =	vsel vm0, $0xFF67, v9;
	v2 =	vsel vm2, $0x1E3E, v0;
	v1 =	vsel vm2, $0x3618, v1;
	s5 =	sadd.s32 $0x2000, s4  }
0x3c: {  	v0 =	vimm.f32 $0.0e+00;
	v2 =	vsel vm1, $0x1AEE, v2;
	v3 =	vsel vm1, $0x36BD, v1;
	s6 =	sadd.s32 $0x4000, s4;
	s7 =	sadd.s32 $0x6000, s4;
	s8 =	sadd.s32 $0x8000, s4  }
0x3d: {  	v1 =	vsel vm0, $0x1B01, v2;
	v2 =	vimm.f32 $1.000000000e+00;
	v3 =	vsel vm0, $0x3F67, v3;
	s9 =	sadd.s32 $0xA000, s4;
	s10 =	sadd.s32 $0xC000, s4;
	s11 =	sadd.s32 $0xE000, s4  }
.LBB2_1:
0x3e: {  	[tilespmem:s2], [sflag:$0x1] =	stream.linear.gather [hbm4b:s3+s2], $0xC000, $0x38;
	[tilespmem:$0x1C000] =	vst v63  }
0x3f: {  	s19 =	simm.s32 $0x0  }
0x40: {  	s20 =	simm.s32 $0x0;
	s21 =	sand.u32 $0xC000, s2;
	s19 =	sand.u32 $0x3000, s19  }
0x41: {  	s20 =	sand.u32 $0x380, s20;
	s19 =	sor.u32 s19, s21  }
0x42: {  	s19 =	sor.u32 s20, s19  }
0x43: {  	[tilespmem:s19+$0xCC70] =	vst v0  }
0x44: {  	[tilespmem:s19+$0xC000] =	vst v0  }
0x45: {  	[tilespmem:s19+$0xC010] =	vst v0  }
0x46: {  	[tilespmem:s19+$0xC020] =	vst v0  }
0x47: {  	[tilespmem:s19+$0xC030] =	vst v0  }
0x48: {  	[tilespmem:s19+$0xC040] =	vst v0  }
0x49: {  	[tilespmem:s19+$0xC050] =	vst v0  }
0x4a: {  	[tilespmem:s19+$0xC060] =	vst v0  }
0x4b: {  	[tilespmem:s19+$0xC070] =	vst v0  }
0x4c: {  	[tilespmem:s19+$0xC400] =	vst v0  }
0x4d: {  	[tilespmem:s19+$0xC410] =	vst v0  }
0x4e: {  	[tilespmem:s19+$0xC420] =	vst v0  }
0x4f: {  	[tilespmem:s19+$0xC430] =	vst v0  }
0x50: {  	[tilespmem:s19+$0xC440] =	vst v0  }
0x51: {  	[tilespmem:s19+$0xC450] =	vst v0  }
0x52: {  	[tilespmem:s19+$0xC460] =	vst v0  }
0x53: {  	[tilespmem:s19+$0xC470] =	vst v0  }
0x54: {  	[tilespmem:s19+$0xC800] =	vst v0  }
0x55: {  	[tilespmem:s19+$0xC810] =	vst v0  }
0x56: {  	[tilespmem:s19+$0xC820] =	vst v0  }
0x57: {  	[tilespmem:s19+$0xC830] =	vst v0  }
0x58: {  	[tilespmem:s19+$0xC840] =	vst v0  }
0x59: {  	[tilespmem:s19+$0xC850] =	vst v0  }
0x5a: {  	[tilespmem:s19+$0xC860] =	vst v0  }
0x5b: {  	[tilespmem:s19+$0xC870] =	vst v0  }
0x5c: {  	[tilespmem:s19+$0xCC00] =	vst v0  }
0x5d: {  	[tilespmem:s19+$0xCC10] =	vst v0  }
0x5e: {  	s23 =	simm.s32 $0x80;
	[tilespmem:s19+$0xCC20] =	vst v0  }
0x5f: {  	s22 =	simm.s32 $0x20;
	s21 =	simm.s32 $0x2;
	s20 =	simm.s32 $0x4000;
	[tilespmem:s19+$0xCC30] =	vst v0  }
.LBB2_2:
0x60: {  	p0 =	sne.s32 s21, $0x7F;
	s24 =	sand.u32 $0xC000, s20;
	s23 =	sand.u32 $0x3000, s23;
	[tilespmem:s19+$0xCC40] =	vst v0  }
0x61: {  	s22 =	sand.u32 $0x380, s22;
	s23 =	sor.u32 s23, s24;
	[tilespmem:s19+$0xCC50] =	vst v0  }
0x62: {  	[tilespmem:s19+$0xCC60] =	vst v0;
	s19 =	sor.u32 s22, s23  }
0x63: {  	[tilespmem:s19+$0xCC70] =	vst v0  }
0x64: {  	[tilespmem:s19+$0xC000] =	vst v0  }
0x65: {  	[tilespmem:s19+$0xC010] =	vst v0  }
0x66: {  	[tilespmem:s19+$0xC020] =	vst v0  }
0x67: {  	[tilespmem:s19+$0xC030] =	vst v0  }
0x68: {  	[tilespmem:s19+$0xC040] =	vst v0  }
0x69: {  	[tilespmem:s19+$0xC050] =	vst v0  }
0x6a: {  	[tilespmem:s19+$0xC060] =	vst v0  }
0x6b: {  	[tilespmem:s19+$0xC070] =	vst v0  }
0x6c: {  	[tilespmem:s19+$0xC400] =	vst v0  }
0x6d: {  	[tilespmem:s19+$0xC410] =	vst v0  }
0x6e: {  	[tilespmem:s19+$0xC420] =	vst v0  }
0x6f: {  	[tilespmem:s19+$0xC430] =	vst v0  }
0x70: {  	[tilespmem:s19+$0xC440] =	vst v0  }
0x71: {  	[tilespmem:s19+$0xC450] =	vst v0  }
0x72: {  	[tilespmem:s19+$0xC460] =	vst v0  }
0x73: {  	[tilespmem:s19+$0xC470] =	vst v0  }
0x74: {  	[tilespmem:s19+$0xC800] =	vst v0  }
0x75: {  	[tilespmem:s19+$0xC810] =	vst v0  }
0x76: {  	[tilespmem:s19+$0xC820] =	vst v0  }
0x77: {  	[tilespmem:s19+$0xC830] =	vst v0  }
0x78: {  	[tilespmem:s19+$0xC840] =	vst v0  }
0x79: {  	[tilespmem:s19+$0xC850] =	vst v0  }
0x7a: {  	[tilespmem:s19+$0xC860] =	vst v0  }
.Ltmp0:
0x7b: {  	[tilespmem:s19+$0xC870] =	vst v0;
	(pc) =	sbr.rel @p0 .LBB2_2-.Ltmp0, $4  }
0x7c: {  	[tilespmem:s19+$0xCC00] =	vst v0  }
0x7d: {  	[tilespmem:s19+$0xCC10] =	vst v0  }
0x7e: {  	s20 =	sadd.s32 $0x4000, s20;
	[tilespmem:s19+$0xCC20] =	vst v0  }
0x7f: {  	s23 =	sshll.u32 s21, $0x7;
	s22 =	sshll.u32 s21, $0x5;
	s21 =	sadd.s32 $0x1, s21;
	[tilespmem:s19+$0xCC30] =	vst v0  }
0x80: {  	s20 =	sand.u32 $0xC000, s20;
	s21 =	sand.u32 $0x3000, s23;
	[tilespmem:s19+$0xCC40] =	vst v0  }
0x81: {  	s22 =	sand.u32 $0x380, s22;
	[tilespmem:s19+$0xCC50] =	vst v0;
	s20 =	sor.u32 s21, s20  }
0x82: {  	[tilespmem:s19+$0xCC60] =	vst v0;
	s20 =	sor.u32 s22, s20  }
0x83: {  	[tilespmem:s20+$0xCC70] =	vst v0  }
0x84: {  	[tilespmem:s20+$0xC000] =	vst v0  }
0x85: {  	[tilespmem:s20+$0xC010] =	vst v0  }
0x86: {  	[tilespmem:s20+$0xC020] =	vst v0  }
0x87: {  	[tilespmem:s20+$0xC030] =	vst v0  }
0x88: {  	[tilespmem:s20+$0xC040] =	vst v0  }
0x89: {  	[tilespmem:s20+$0xC050] =	vst v0  }
0x8a: {  	[tilespmem:s20+$0xC060] =	vst v0  }
0x8b: {  	[tilespmem:s20+$0xC070] =	vst v0  }
0x8c: {  	[tilespmem:s20+$0xC400] =	vst v0  }
0x8d: {  	[tilespmem:s20+$0xC410] =	vst v0  }
0x8e: {  	[tilespmem:s20+$0xC420] =	vst v0  }
0x8f: {  	[tilespmem:s20+$0xC430] =	vst v0  }
0x90: {  	[tilespmem:s20+$0xC440] =	vst v0  }
0x91: {  	[tilespmem:s20+$0xC450] =	vst v0  }
0x92: {  	[tilespmem:s20+$0xC460] =	vst v0  }
0x93: {  	[tilespmem:s20+$0xC470] =	vst v0  }
0x94: {  	[tilespmem:s20+$0xC800] =	vst v0  }
0x95: {  	[tilespmem:s20+$0xC810] =	vst v0  }
0x96: {  	[tilespmem:s20+$0xC820] =	vst v0  }
0x97: {  	[tilespmem:s20+$0xC830] =	vst v0  }
0x98: {  	[tilespmem:s20+$0xC840] =	vst v0  }
0x99: {  	[tilespmem:s20+$0xC850] =	vst v0  }
0x9a: {  	[tilespmem:s20+$0xC860] =	vst v0  }
0x9b: {  	[tilespmem:s20+$0xC870] =	vst v0  }
0x9c: {  	[tilespmem:s20+$0xCC00] =	vst v0  }
0x9d: {  	[tilespmem:s20+$0xCC10] =	vst v0  }
0x9e: {  	[tilespmem:s20+$0xCC20] =	vst v0  }
0x9f: {  	[tilespmem:s20+$0xCC30] =	vst v0  }
0xa0: {  	[tilespmem:s20+$0xCC40] =	vst v0  }
0xa1: {  	[tilespmem:s20+$0xCC50] =	vst v0  }
0xa2: {  	[tilespmem:s20+$0xCC60] =	vst v0  }
0xa3: {  	[tilespmem:v1+s14+$0x0] =	vst.idx.msk $0xffff, v2  }
0xa4: {  	[tilespmem:v3+s14+$0x0] =	vst.idx.msk $0xffff, v2  }
0xa5: {  	[tilespmem:v4+s14+$0x0] =	vst.idx.msk $0xffff, v2  }
0xa6: {  	[tilespmem:v5+s14+$0x0] =	vst.idx.msk $0xffff, v2  }
0xa7: {  	[tilespmem:v6+s14+$0x0] =	vst.idx.msk $0xffff, v2  }
0xa8: {  	[tilespmem:v7+s14+$0x0] =	vst.idx.msk $0xffff, v2  }
0xa9: {  	[tilespmem:v8+s14+$0x0] =	vst.idx.msk $0xffff, v2  }
0xaa: {  	[tilespmem:v9+s14+$0x0] =	vst.idx.msk $0xffff, v2  }
0xab: {  	[hbm4b:s4+s2] =	stream.linear.scatter [tilespmem:s14], [sflag:$0x2], $0x10000, $0x38;
	[tilespmem:$0x1C000] =	vst v63  }
0xac: {  	_ = 	snop  }
0xad: {  	[hbm4b:s5+s2] =	stream.linear.scatter [tilespmem:s14], [sflag:$0x2], $0x10000, $0x38;
	[tilespmem:$0x1C000] =	vst v63  }
0xae: {  	_ = 	snop  }
0xaf: {  	[hbm4b:s6+s2] =	stream.linear.scatter [tilespmem:s14], [sflag:$0x2], $0x10000, $0x38;
	[tilespmem:$0x1C000] =	vst v63  }
0xb0: {  	_ = 	snop  }
0xb1: {  	[hbm4b:s7+s2] =	stream.linear.scatter [tilespmem:s14], [sflag:$0x2], $0x10000, $0x38;
	[tilespmem:$0x1C000] =	vst v63  }
0xb2: {  	_ = 	snop  }
0xb3: {  	[hbm4b:s8+s2] =	stream.linear.scatter [tilespmem:s14], [sflag:$0x2], $0x10000, $0x38;
	[tilespmem:$0x1C000] =	vst v63  }
0xb4: {  	_ = 	snop  }
0xb5: {  	[hbm4b:s9+s2] =	stream.linear.scatter [tilespmem:s14], [sflag:$0x2], $0x10000, $0x38;
	[tilespmem:$0x1C000] =	vst v63  }
0xb6: {  	_ = 	snop  }
0xb7: {  	[hbm4b:s10+s2] =	stream.linear.scatter [tilespmem:s14], [sflag:$0x2], $0x10000, $0x38;
	[tilespmem:$0x1C000] =	vst v63  }
0xb8: {  	_ = 	snop  }
0xb9: {  	[hbm4b:s11+s2] =	stream.linear.scatter [tilespmem:s14], [sflag:$0x2], $0x10000, $0x38;
	[tilespmem:$0x1C000] =	vst v63  }
0xba: {  	_ =	swait.ge [sflag:s15], $0xC000  }
0xbb: {  	[sflag:s15] =	ssyncset.done $0x0  }
0xbc: {  	[sflag:s15] =	ssyncadd.s32 $0xFFFF4000  }
0xbd: {  	[hbm4b:s12+s2] =	stream.linear.scatter [tilespmem:s2], [sflag:$0x3], $0xC000, $0x38;
	[tilespmem:$0x1C000] =	vst v63  }
0xbe: {  	_ =	swait.ge [sflag:s16], $0xC000  }
0xbf: {  	[sflag:s16] =	ssyncset.done $0x0  }
0xc0: {  	[sflag:s16] =	ssyncadd.s32 $0xFFFF4000  }
0xc1: {  	_ =	swait.ge [sflag:s17], $0x10000  }
0xc2: {  	[sflag:s17] =	ssyncset.done $0x0  }
0xc3: {  	[sflag:s17] =	ssyncadd.s32 $0xFFFF0000  }
0xc4: {  	_ =	swait.ge [sflag:s17], $0x10000  }
0xc5: {  	[sflag:s17] =	ssyncset.done $0x0  }
0xc6: {  	[sflag:s17] =	ssyncadd.s32 $0xFFFF0000  }
0xc7: {  	_ =	swait.ge [sflag:s17], $0x10000  }
0xc8: {  	[sflag:s17] =	ssyncset.done $0x0  }
0xc9: {  	[sflag:s17] =	ssyncadd.s32 $0xFFFF0000  }
0xca: {  	_ =	swait.ge [sflag:s17], $0x10000  }
0xcb: {  	[sflag:s17] =	ssyncset.done $0x0  }
0xcc: {  	[sflag:s17] =	ssyncadd.s32 $0xFFFF0000  }
0xcd: {  	_ =	swait.ge [sflag:s17], $0x10000  }
0xce: {  	[sflag:s17] =	ssyncset.done $0x0  }
0xcf: {  	[sflag:s17] =	ssyncadd.s32 $0xFFFF0000  }
0xd0: {  	_ =	swait.ge [sflag:s17], $0x10000  }
0xd1: {  	[sflag:s17] =	ssyncset.done $0x0  }
0xd2: {  	s18 =	sadd.s32 $0x1, s18;
	[sflag:s17] =	ssyncadd.s32 $0xFFFF0000  }
0xd3: {  	p0 =	sne.s32 s18, s13;
	_ =	swait.ge [sflag:s17], $0x10000  }
.Ltmp1:
0xd4: {  	[sflag:s17] =	ssyncset.done $0x0;
	(pc) =	sbr.rel @p0 .LBB2_1-.Ltmp1, $4  }
0xd5: {  	[sflag:s17] =	ssyncadd.s32 $0xFFFF0000  }
0xd6: {  	_ =	swait.ge [sflag:s17], $0x10000  }
0xd7: {  	[sflag:s17] =	ssyncset.done $0x0  }
0xd8: {  	[sflag:s17] =	ssyncadd.s32 $0xFFFF0000  }
0xd9: {  	_ =	sfence.sel $0x180000  }
0xda: {  	[bflag:$0x0] =	sbarrier.arrive $0xFFFF  }
0xdb: {  	p0 =	sne.s32 s0, $0x0;
	_ =	strace $0x90000047  }
0xdc: {  	s0 =	sadd.s32 @!p0 $0x100000, s1;
	[bflag:$0x2] =	sbarrier.arrive $0xFFFF  }
0xdd: {  	[sflag:s0] =	ssyncadd.tile.s32 @!p0 $0x1;
	_ =	shalt  }
.Lfunc_end2:
_tile_overlayer_lowered:
.L_overlay_start_2:
0xde: {  	(tag) =	ssettag $0x2  }
0xdf: {  	s0 =	rddreg [dreg:$0x0];
	s2 =	stileid.u32  }
0xe0: {  	s1 =	rddreg [dreg:$0x1];
	p0 =	sne.s32 s2, $0x0  }
0xe1: {  	s3 =	rddreg [dreg:$0x2];
	[bflag:$0x3] =	sbarrier.arrive $0xFFFF;
	s2 =	simm.s32 @!p0 $0x1C03  }
0xe2: {  	[timem:s3], [sflag:s2] =	dma.local @!p0 [hbm:s0], s1  }
0xe3: {  	s0 =	simm.s32 @!p0 $0x3  }
0xe4: {  	_ =	swait.ge @!p0 [sflag:s0], s1  }
0xe5: {  	s1 =	ssub.s32 @!p0 $0x0, s1;
	[sflag:s0] =	ssyncset.done @!p0 $0x0  }
0xe6: {  	[sflag:s0] =	ssyncadd.s32 @!p0 s1  }
0xe7: {  	[bflag:$0x3] =	sbarrier.arrive $0xFFFF  }
0xe8: {  	_ =	shalt  }

</sc_bundles>
